<compile_context>
chip_gen: v7x
topology: tpu7x:2x2x1
jax: 0.10.2.dev20260603
libtpu: 0.0.44.dev20260713+nightly
codegen_flags: <defaults>
</compile_context>

<pallas_src>
import functools

import jax
import jax.numpy as jnp
from jax import lax
from jax.experimental import pallas as pl
from jax.experimental.pallas import tpu as pltpu
from jax.experimental.pallas import tpu_sc as plsc

N_NODES = 10000
N_PAD = 10240
N_EDGES = 320000
D = 128
DH = D // 2
CNTW = 16
L = 16

NC = 2
NS = 16
E_W = N_EDGES // NS
CHUNK = 80
NCH = E_W // CHUNK
NBUF = 5
ROWS_T = N_PAD // NS
WB = 160


def _sc_segment_sums(edges, recv3):
    mesh = plsc.VectorSubcoreMesh(
        core_axis_name="c", subcore_axis_name="s", num_cores=NC, num_subcores=NS
    )

    @functools.partial(
        pl.kernel,
        out_type=(
            jax.ShapeDtypeStruct((N_PAD, D), jnp.float32),
            jax.ShapeDtypeStruct((NC * N_PAD,), jnp.float32),
        ),
        mesh=mesh,
        compiler_params=pltpu.CompilerParams(
            use_tc_tiling_on_sc=False, needs_layout_passes=False
        ),
        scratch_types=(
            pltpu.VMEM((NBUF, CHUNK, DH), jnp.float32),
            pltpu.VMEM((NCH, CHUNK), jnp.int32),
            pltpu.VMEM((CHUNK, CNTW), jnp.float32),
            pltpu.VMEM((WB, DH), jnp.float32),
            pltpu.VMEM((ROWS_T, CNTW), jnp.float32),
            pltpu.VMEM((ROWS_T,), jnp.float32),
            pltpu.VMEM_SHARED((N_PAD, DH), jnp.float32),
            pltpu.VMEM_SHARED((N_PAD, CNTW), jnp.float32),
            [pltpu.SemaphoreType.DMA] * NBUF,
            [pltpu.SemaphoreType.DMA] * NBUF,
        ),
    )
    def k(edges_hbm, recv_hbm, psum_hbm, pcnt_hbm,
          ebuf, ibuf, onesv, wbuf, cbuf, cflat, acc_s, acc_c, semL, semS):
        c = lax.axis_index("c")
        s = lax.axis_index("s")
        base = s * E_W
        col = c * DH

        zval = jnp.zeros((L,), jnp.float32)
        oval = jnp.ones((L,), jnp.float32)

        def load_start(b, j):
            pltpu.async_copy(
                edges_hbm.at[pl.ds(base + j * CHUNK, CHUNK), pl.ds(col, DH)],
                ebuf.at[b], semL[b])

        def load_wait(b):
            pltpu.make_async_copy(
                edges_hbm.at[pl.ds(base, CHUNK), pl.ds(col, DH)],
                ebuf.at[b], semL[b]).wait()

        for b in range(NBUF):
            load_start(b, b)
        recv_cp = pltpu.async_copy(recv_hbm.at[s], ibuf, semS[0])

        def fill_ones(i, _):
            onesv[i, :] = oval
            return 0

        def fill_wz(i, _):
            for q in range(DH // L):
                wbuf[i, pl.ds(q * L, L)] = zval
            return 0

        def fill_cz(i, _):
            cbuf[i, :] = zval
            return 0

        lax.fori_loop(0, CHUNK, fill_ones, 0)
        lax.fori_loop(0, WB, fill_wz, 0)
        lax.fori_loop(0, ROWS_T, fill_cz, 0)

        def zbody(i, _):
            pltpu.sync_copy(wbuf, acc_s.at[pl.ds(s * ROWS_T + i * WB, WB)])
            return 0

        lax.fori_loop(0, ROWS_T // WB, zbody, 0)
        pltpu.sync_copy(cbuf, acc_c.at[pl.ds(s * ROWS_T, ROWS_T)])
        recv_cp.wait()
        plsc.subcore_barrier()

        def scat_start(b, j):
            pltpu.async_copy(ebuf.at[b], acc_s.at[ibuf.at[j]], semS[b], add=True)

            @pl.when(c == j % 2)
            def _():
                pltpu.async_copy(onesv, acc_c.at[ibuf.at[j]], semS[b], add=True)

        def scat_wait(b, j):
            pltpu.make_async_copy(ebuf.at[b], acc_s.at[ibuf.at[0]], semS[b]).wait()

            @pl.when(c == j % 2)
            def _():
                pltpu.make_async_copy(onesv, acc_c.at[ibuf.at[0]], semS[b]).wait()

        def body(g, _):
            j0 = g * NBUF
            for b in range(NBUF):
                load_wait(b)
                scat_start(b, j0 + b)
            for b in range(NBUF):
                scat_wait(b, j0 + b)

                @pl.when(g < NCH // NBUF - 1)
                def _():
                    load_start(b, j0 + NBUF + b)

            return 0

        lax.fori_loop(0, NCH // NBUF, body, 0)
        plsc.subcore_barrier()

        def wb_body(i, _):
            r = s * ROWS_T + i * WB
            pltpu.sync_copy(acc_s.at[pl.ds(r, WB)], wbuf)
            pltpu.sync_copy(wbuf, psum_hbm.at[pl.ds(r, WB), pl.ds(col, DH)])
            return 0

        lax.fori_loop(0, ROWS_T // WB, wb_body, 0)

        pltpu.sync_copy(acc_c.at[pl.ds(s * ROWS_T, ROWS_T)], cbuf)
        zidx = jnp.zeros((L,), jnp.int32)

        def gat(i, _):
            rows = i * L + lax.iota(jnp.int32, L)
            v = plsc.load_gather(cbuf, [rows, zidx])
            cflat[pl.ds(i * L, L)] = v
            return 0

        lax.fori_loop(0, ROWS_T // L, gat, 0)
        pltpu.sync_copy(cflat, pcnt_hbm.at[pl.ds(c * N_PAD + s * ROWS_T, ROWS_T)])

    return k(edges, recv3)


def _tc_combine_project(psum, pcnt, nodes, W):
    BLK = 1000
    grid = N_NODES // BLK
    cdims = (((1,), (1,)), ((), ()))

    def body(psum_ref, pcnt_ref, nodes_ref, w_ref, out_ref):
        cnt = pcnt_ref[0] + pcnt_ref[1]
        agg = psum_ref[...] / jnp.maximum(cnt, 1.0)
        acc = lax.dot_general(agg, w_ref[:, :D], cdims,
                              preferred_element_type=jnp.float32)
        acc += lax.dot_general(nodes_ref[...], w_ref[:, D:], cdims,
                               preferred_element_type=jnp.float32)
        out_ref[...] = jnp.maximum(acc, 0.0)

    return pl.pallas_call(
        body,
        grid=(grid,),
        in_specs=[
            pl.BlockSpec((BLK, D), lambda i: (i, 0)),
            pl.BlockSpec((NC, BLK, 1), lambda i: (0, i, 0)),
            pl.BlockSpec((BLK, D), lambda i: (i, 0)),
            pl.BlockSpec((D, 2 * D), lambda i: (0, 0)),
        ],
        out_specs=pl.BlockSpec((BLK, D), lambda i: (i, 0)),
        out_shape=jax.ShapeDtypeStruct((N_NODES, D), jnp.float32),
    )(psum, pcnt, nodes, W)


@jax.jit
def kernel(nodes, edges, receivers, W):
    recv3 = receivers.reshape(NS, NCH, CHUNK)
    psum, pcnt_flat = _sc_segment_sums(edges, recv3)
    pcnt = pcnt_flat.reshape(NC, N_PAD, 1)
    return _tc_combine_project(psum, pcnt, nodes, W)

# --- scband reference (transcript-rebuilt; emitter-appended) ---
"""Pipeline reference for scband-node-block-29119878266987 (READ-ONLY COPY).

The authoritative reference and input builder live on the scoring server;
editing this copy changes nothing except your own understanding.
"""

import jax, jax.numpy as jnp
import numpy as np

N_NODES = 10000
N_EDGES = 320000
D_MODEL = 128

def setup_inputs(seed: int = 0) -> dict:
    key = jax.random.key(seed)
    k1, k2, k3, k4 = jax.random.split(key, 4)
    nodes = jax.random.normal(k1, (N_NODES, D_MODEL), dtype=jnp.float32)
    edges = jax.random.normal(k2, (N_EDGES, D_MODEL), dtype=jnp.float32)
    receivers = jax.random.randint(k3, (N_EDGES,), 0, N_NODES, dtype=jnp.int32)
    # Linear(d_in=2*d_model, d_model, bias=False): weight W has shape [d_model, d_in]
    W = jax.random.normal(k4, (D_MODEL, 2 * D_MODEL), dtype=jnp.float32) * 0.05
    return {"nodes": nodes, "edges": edges, "receivers": receivers, "W": W}

def _unsorted_mean_agg(data, segment_ids, num_segments):
    # scatter_add sums per receiver node, divide by per-node edge counts
    sums = jnp.zeros((num_segments, data.shape[1]), dtype=data.dtype).at[segment_ids].add(data)
    counts = jnp.zeros((num_segments,), dtype=data.dtype).at[segment_ids].add(1.0)
    counts = jnp.maximum(counts, 1.0)  # with E>>N all nodes are hit; guard matches unique-based torch code
    return sums / counts[:, None]

def reference(nodes, edges, receivers, W):
    num_nodes = nodes.shape[0]
    # received-edges aggregation (use_received_edges=True)
    agg_recv = _unsorted_mean_agg(edges, receivers, num_nodes)
    # collect: [aggregated received edges, nodes]
    collected = jnp.concatenate([agg_recv, nodes], axis=-1)
    # project: Linear without bias -> x @ W.T
    projected = collected @ W.T
    # update_fn = relu (returns (updated_nodes, attn_nodes=None))
    updated_nodes = jax.nn.relu(projected)
    return updated_nodes

if __name__ == "__main__":
    import jax
    _d = setup_inputs()
    print(jax.jit(kernel)(*tuple(_d.values())))

</pallas_src>

<mosaic_0001>
#map = affine_map<(d0, d1) -> (0, 0)>
#map1 = affine_map<(d0, d1) -> (0, 0, 0)>
#map2 = affine_map<(d0, d1) -> (0)>
module attributes {stable_mosaic.version = 14 : i64} {
  func.func @k(%arg0: i32, %arg1: i32, %arg2: memref<320000x128xf32, #tpu.memory_space<hbm>>, %arg3: memref<16x250x80xi32, #tpu.memory_space<hbm>>, %arg4: memref<10240x128xf32, #tpu.memory_space<hbm>>, %arg5: memref<20480xf32, #tpu.memory_space<hbm>>, %arg6: memref<5x80x64xf32, #tpu.memory_space<vmem>>, %arg7: memref<250x80xi32, #tpu.memory_space<vmem>>, %arg8: memref<80x16xf32, #tpu.memory_space<vmem>>, %arg9: memref<160x64xf32, #tpu.memory_space<vmem>>, %arg10: memref<640x16xf32, #tpu.memory_space<vmem>>, %arg11: memref<640xf32, #tpu.memory_space<vmem>>, %arg12: memref<10240x64xf32, #tpu.memory_space<vmem_shared>>, %arg13: memref<10240x16xf32, #tpu.memory_space<vmem_shared>>, %arg14: memref<!tpu.dma_semaphore, #tpu.memory_space<semaphore_mem>>, %arg15: memref<!tpu.dma_semaphore, #tpu.memory_space<semaphore_mem>>, %arg16: memref<!tpu.dma_semaphore, #tpu.memory_space<semaphore_mem>>, %arg17: memref<!tpu.dma_semaphore, #tpu.memory_space<semaphore_mem>>, %arg18: memref<!tpu.dma_semaphore, #tpu.memory_space<semaphore_mem>>, %arg19: memref<!tpu.dma_semaphore, #tpu.memory_space<semaphore_mem>>, %arg20: memref<!tpu.dma_semaphore, #tpu.memory_space<semaphore_mem>>, %arg21: memref<!tpu.dma_semaphore, #tpu.memory_space<semaphore_mem>>, %arg22: memref<!tpu.dma_semaphore, #tpu.memory_space<semaphore_mem>>, %arg23: memref<!tpu.dma_semaphore, #tpu.memory_space<semaphore_mem>>) attributes {dimension_semantics = [#tpu.dimension_semantics<core_parallel>, #tpu.dimension_semantics<subcore_parallel>], iteration_bounds = array<i64: 2, 16>, scalar_prefetch = 0 : i64, scratch_operands = 18 : i64, tpu.core_type = #tpu.core_type<sc_vector_subcore>, window_params = [{transform_indices = #map}, {transform_indices = #map1}, {transform_indices = #map}, {transform_indices = #map2}]} {
    %mul3A = arith.constant 20000 : i32
    %mul3A_0 = arith.muli %arg1, %mul3A : i32
    %mul3A_1 = arith.constant 64 : i32
    %mul3A_2 = arith.muli %arg0, %mul3A_1 : i32
    %broadcast_in_dim3A = arith.constant 0.000000e+00 : f32
    %broadcast_in_dim3A_3 = vector.broadcast %broadcast_in_dim3A : f32 to vector<16xf32>
    %broadcast_in_dim3A_4 = arith.constant 1.000000e+00 : f32
    %broadcast_in_dim3A_5 = vector.broadcast %broadcast_in_dim3A_4 : f32 to vector<16xf32>
    %add3A = arith.constant 0 : i32
    %add3A_6 = arith.addi %mul3A_0, %add3A : i32
    %dma_start3A = arith.constant 0 : i32
    %dma_start3A_7 = arith.constant 0 : i32
    %dma_start3A_8 = arith.constant 0 : i32
    %dma_start3A_9 = tpu.memref_slice %arg6[%dma_start3A, %dma_start3A_7, %dma_start3A_8] : memref<5x80x64xf32, #tpu.memory_space<vmem>> -> memref<1x80x64xf32, #tpu.memory_space<vmem>>
    %dma_start3A_10 = tpu.memref_squeeze %dma_start3A_9 : memref<1x80x64xf32, #tpu.memory_space<vmem>> -> memref<80x64xf32, #tpu.memory_space<vmem>>
    %dma_start3A_11 = tpu.memref_slice %arg2[%add3A_6, %mul3A_2] : memref<320000x128xf32, #tpu.memory_space<hbm>> -> memref<80x64xf32, #tpu.memory_space<hbm>>
    %dma_start3A_12 = arith.constant 0 : i32
    %dma_start3A_13 = arith.constant 0 : i32
    %dma_start3A_14 = tpu.memref_slice %arg6[%dma_start3A, %dma_start3A_12, %dma_start3A_13] : memref<5x80x64xf32, #tpu.memory_space<vmem>> -> memref<1x80x64xf32, #tpu.memory_space<vmem>>
    %dma_start3A_15 = tpu.memref_squeeze %dma_start3A_14 : memref<1x80x64xf32, #tpu.memory_space<vmem>> -> memref<80x64xf32, #tpu.memory_space<vmem>>
    %dma_start3A_16 = tpu.memref_slice %arg2[%add3A_6, %mul3A_2] : memref<320000x128xf32, #tpu.memory_space<hbm>> -> memref<80x64xf32, #tpu.memory_space<hbm>>
    tpu.enqueue_dma source(%dma_start3A_16 : memref<80x64xf32, #tpu.memory_space<hbm>>) target(%dma_start3A_15 : memref<80x64xf32, #tpu.memory_space<vmem>>) target_semaphore(%arg14 : memref<!tpu.dma_semaphore, #tpu.memory_space<semaphore_mem>>)
    %add3A_17 = arith.constant 80 : i32
    %add3A_18 = arith.addi %mul3A_0, %add3A_17 : i32
    %dma_start3A_19 = arith.constant 1 : i32
    %dma_start3A_20 = arith.constant 0 : i32
    %dma_start3A_21 = arith.constant 0 : i32
    %dma_start3A_22 = tpu.memref_slice %arg6[%dma_start3A_19, %dma_start3A_20, %dma_start3A_21] : memref<5x80x64xf32, #tpu.memory_space<vmem>> -> memref<1x80x64xf32, #tpu.memory_space<vmem>>
    %dma_start3A_23 = tpu.memref_squeeze %dma_start3A_22 : memref<1x80x64xf32, #tpu.memory_space<vmem>> -> memref<80x64xf32, #tpu.memory_space<vmem>>
    %dma_start3A_24 = tpu.memref_slice %arg2[%add3A_18, %mul3A_2] : memref<320000x128xf32, #tpu.memory_space<hbm>> -> memref<80x64xf32, #tpu.memory_space<hbm>>
    %dma_start3A_25 = arith.constant 0 : i32
    %dma_start3A_26 = arith.constant 0 : i32
    %dma_start3A_27 = tpu.memref_slice %arg6[%dma_start3A_19, %dma_start3A_25, %dma_start3A_26] : memref<5x80x64xf32, #tpu.memory_space<vmem>> -> memref<1x80x64xf32, #tpu.memory_space<vmem>>
    %dma_start3A_28 = tpu.memref_squeeze %dma_start3A_27 : memref<1x80x64xf32, #tpu.memory_space<vmem>> -> memref<80x64xf32, #tpu.memory_space<vmem>>
    %dma_start3A_29 = tpu.memref_slice %arg2[%add3A_18, %mul3A_2] : memref<320000x128xf32, #tpu.memory_space<hbm>> -> memref<80x64xf32, #tpu.memory_space<hbm>>
    tpu.enqueue_dma source(%dma_start3A_29 : memref<80x64xf32, #tpu.memory_space<hbm>>) target(%dma_start3A_28 : memref<80x64xf32, #tpu.memory_space<vmem>>) target_semaphore(%arg15 : memref<!tpu.dma_semaphore, #tpu.memory_space<semaphore_mem>>)
    %add3A_30 = arith.constant 160 : i32
    %add3A_31 = arith.addi %mul3A_0, %add3A_30 : i32
    %dma_start3A_32 = arith.constant 2 : i32
    %dma_start3A_33 = arith.constant 0 : i32
    %dma_start3A_34 = arith.constant 0 : i32
    %dma_start3A_35 = tpu.memref_slice %arg6[%dma_start3A_32, %dma_start3A_33, %dma_start3A_34] : memref<5x80x64xf32, #tpu.memory_space<vmem>> -> memref<1x80x64xf32, #tpu.memory_space<vmem>>
    %dma_start3A_36 = tpu.memref_squeeze %dma_start3A_35 : memref<1x80x64xf32, #tpu.memory_space<vmem>> -> memref<80x64xf32, #tpu.memory_space<vmem>>
    %dma_start3A_37 = tpu.memref_slice %arg2[%add3A_31, %mul3A_2] : memref<320000x128xf32, #tpu.memory_space<hbm>> -> memref<80x64xf32, #tpu.memory_space<hbm>>
    %dma_start3A_38 = arith.constant 0 : i32
    %dma_start3A_39 = arith.constant 0 : i32
    %dma_start3A_40 = tpu.memref_slice %arg6[%dma_start3A_32, %dma_start3A_38, %dma_start3A_39] : memref<5x80x64xf32, #tpu.memory_space<vmem>> -> memref<1x80x64xf32, #tpu.memory_space<vmem>>
    %dma_start3A_41 = tpu.memref_squeeze %dma_start3A_40 : memref<1x80x64xf32, #tpu.memory_space<vmem>> -> memref<80x64xf32, #tpu.memory_space<vmem>>
    %dma_start3A_42 = tpu.memref_slice %arg2[%add3A_31, %mul3A_2] : memref<320000x128xf32, #tpu.memory_space<hbm>> -> memref<80x64xf32, #tpu.memory_space<hbm>>
    tpu.enqueue_dma source(%dma_start3A_42 : memref<80x64xf32, #tpu.memory_space<hbm>>) target(%dma_start3A_41 : memref<80x64xf32, #tpu.memory_space<vmem>>) target_semaphore(%arg16 : memref<!tpu.dma_semaphore, #tpu.memory_space<semaphore_mem>>)
    %add3A_43 = arith.constant 240 : i32
    %add3A_44 = arith.addi %mul3A_0, %add3A_43 : i32
    %dma_start3A_45 = arith.constant 3 : i32
    %dma_start3A_46 = arith.constant 0 : i32
    %dma_start3A_47 = arith.constant 0 : i32
    %dma_start3A_48 = tpu.memref_slice %arg6[%dma_start3A_45, %dma_start3A_46, %dma_start3A_47] : memref<5x80x64xf32, #tpu.memory_space<vmem>> -> memref<1x80x64xf32, #tpu.memory_space<vmem>>
    %dma_start3A_49 = tpu.memref_squeeze %dma_start3A_48 : memref<1x80x64xf32, #tpu.memory_space<vmem>> -> memref<80x64xf32, #tpu.memory_space<vmem>>
    %dma_start3A_50 = tpu.memref_slice %arg2[%add3A_44, %mul3A_2] : memref<320000x128xf32, #tpu.memory_space<hbm>> -> memref<80x64xf32, #tpu.memory_space<hbm>>
    %dma_start3A_51 = arith.constant 0 : i32
    %dma_start3A_52 = arith.constant 0 : i32
    %dma_start3A_53 = tpu.memref_slice %arg6[%dma_start3A_45, %dma_start3A_51, %dma_start3A_52] : memref<5x80x64xf32, #tpu.memory_space<vmem>> -> memref<1x80x64xf32, #tpu.memory_space<vmem>>
    %dma_start3A_54 = tpu.memref_squeeze %dma_start3A_53 : memref<1x80x64xf32, #tpu.memory_space<vmem>> -> memref<80x64xf32, #tpu.memory_space<vmem>>
    %dma_start3A_55 = tpu.memref_slice %arg2[%add3A_44, %mul3A_2] : memref<320000x128xf32, #tpu.memory_space<hbm>> -> memref<80x64xf32, #tpu.memory_space<hbm>>
    tpu.enqueue_dma source(%dma_start3A_55 : memref<80x64xf32, #tpu.memory_space<hbm>>) target(%dma_start3A_54 : memref<80x64xf32, #tpu.memory_space<vmem>>) target_semaphore(%arg17 : memref<!tpu.dma_semaphore, #tpu.memory_space<semaphore_mem>>)
    %add3A_56 = arith.constant 320 : i32
    %add3A_57 = arith.addi %mul3A_0, %add3A_56 : i32
    %dma_start3A_58 = arith.constant 4 : i32
    %dma_start3A_59 = arith.constant 0 : i32
    %dma_start3A_60 = arith.constant 0 : i32
    %dma_start3A_61 = tpu.memref_slice %arg6[%dma_start3A_58, %dma_start3A_59, %dma_start3A_60] : memref<5x80x64xf32, #tpu.memory_space<vmem>> -> memref<1x80x64xf32, #tpu.memory_space<vmem>>
    %dma_start3A_62 = tpu.memref_squeeze %dma_start3A_61 : memref<1x80x64xf32, #tpu.memory_space<vmem>> -> memref<80x64xf32, #tpu.memory_space<vmem>>
    %dma_start3A_63 = tpu.memref_slice %arg2[%add3A_57, %mul3A_2] : memref<320000x128xf32, #tpu.memory_space<hbm>> -> memref<80x64xf32, #tpu.memory_space<hbm>>
    %dma_start3A_64 = arith.constant 0 : i32
    %dma_start3A_65 = arith.constant 0 : i32
    %dma_start3A_66 = tpu.memref_slice %arg6[%dma_start3A_58, %dma_start3A_64, %dma_start3A_65] : memref<5x80x64xf32, #tpu.memory_space<vmem>> -> memref<1x80x64xf32, #tpu.memory_space<vmem>>
    %dma_start3A_67 = tpu.memref_squeeze %dma_start3A_66 : memref<1x80x64xf32, #tpu.memory_space<vmem>> -> memref<80x64xf32, #tpu.memory_space<vmem>>
    %dma_start3A_68 = tpu.memref_slice %arg2[%add3A_57, %mul3A_2] : memref<320000x128xf32, #tpu.memory_space<hbm>> -> memref<80x64xf32, #tpu.memory_space<hbm>>
    tpu.enqueue_dma source(%dma_start3A_68 : memref<80x64xf32, #tpu.memory_space<hbm>>) target(%dma_start3A_67 : memref<80x64xf32, #tpu.memory_space<vmem>>) target_semaphore(%arg18 : memref<!tpu.dma_semaphore, #tpu.memory_space<semaphore_mem>>)
    %dma_start3A_69 = arith.constant 0 : i32
    %dma_start3A_70 = arith.constant 0 : i32
    %dma_start3A_71 = tpu.memref_slice %arg3[%arg1, %dma_start3A_69, %dma_start3A_70] : memref<16x250x80xi32, #tpu.memory_space<hbm>> -> memref<1x250x80xi32, #tpu.memory_space<hbm>>
    %dma_start3A_72 = tpu.memref_squeeze %dma_start3A_71 : memref<1x250x80xi32, #tpu.memory_space<hbm>> -> memref<250x80xi32, #tpu.memory_space<hbm>>
    %dma_start3A_73 = arith.constant 0 : i32
    %dma_start3A_74 = arith.constant 0 : i32
    %dma_start3A_75 = tpu.memref_slice %arg3[%arg1, %dma_start3A_73, %dma_start3A_74] : memref<16x250x80xi32, #tpu.memory_space<hbm>> -> memref<1x250x80xi32, #tpu.memory_space<hbm>>
    %dma_start3A_76 = tpu.memref_squeeze %dma_start3A_75 : memref<1x250x80xi32, #tpu.memory_space<hbm>> -> memref<250x80xi32, #tpu.memory_space<hbm>>
    tpu.enqueue_dma source(%dma_start3A_76 : memref<250x80xi32, #tpu.memory_space<hbm>>) target(%arg7 : memref<250x80xi32, #tpu.memory_space<vmem>>) target_semaphore(%arg19 : memref<!tpu.dma_semaphore, #tpu.memory_space<semaphore_mem>>)
    %scan3A = arith.constant 0 : i32
    %scan3A_77 = arith.constant 0 : i32
    %scan3A_78 = arith.constant 80 : i32
    %scan3A_79 = arith.addi %scan3A_77, %scan3A_78 : i32
    %scan3A_80 = arith.constant 1 : i32
    %scan3A_81 = scf.for %scan3A_144 = %scan3A_77 to %scan3A_79 step %scan3A_80 iter_args(%scan3A_145 = %scan3A) -> (i32)  : i32 {
      %swap3A = arith.index_cast %scan3A_144 : i32 to index
      %swap3A_146 = arith.constant 0 : index
      %swap3A_147 = tpu.vector_load %arg8[%swap3A, %swap3A_146] {strides = array<i32>} : memref<80x16xf32, #tpu.memory_space<vmem>>, vector<16xf32>,
      tpu.vector_store %arg8[%swap3A, %swap3A_146], %broadcast_in_dim3A_5 {strides = array<i32>} : memref<80x16xf32, #tpu.memory_space<vmem>>, vector<16xf32>,
      %scan3A_148 = arith.constant 0 : i32
      scf.yield %scan3A_148 : i32
    }
    %scan3A_82 = arith.constant 80 : i32
    %scan3A_83 = arith.constant 0 : i32
    %scan3A_84 = arith.constant 0 : i32
    %scan3A_85 = arith.constant 160 : i32
    %scan3A_86 = arith.addi %scan3A_84, %scan3A_85 : i32
    %scan3A_87 = arith.constant 1 : i32
    %scan3A_88 = scf.for %scan3A_144 = %scan3A_84 to %scan3A_86 step %scan3A_87 iter_args(%scan3A_145 = %scan3A_83) -> (i32)  : i32 {
      %swap3A = arith.index_cast %scan3A_144 : i32 to index
      %swap3A_146 = arith.constant 0 : index
      %swap3A_147 = tpu.vector_load %arg9[%swap3A, %swap3A_146] {strides = array<i32>} : memref<160x64xf32, #tpu.memory_space<vmem>>, vector<16xf32>,
      tpu.vector_store %arg9[%swap3A, %swap3A_146], %broadcast_in_dim3A_3 {strides = array<i32>} : memref<160x64xf32, #tpu.memory_space<vmem>>, vector<16xf32>,
      %swap3A_148 = arith.index_cast %scan3A_144 : i32 to index
      %swap3A_149 = arith.constant 16 : index
      %swap3A_150 = tpu.vector_load %arg9[%swap3A_148, %swap3A_149] {strides = array<i32>} : memref<160x64xf32, #tpu.memory_space<vmem>>, vector<16xf32>,
      tpu.vector_store %arg9[%swap3A_148, %swap3A_149], %broadcast_in_dim3A_3 {strides = array<i32>} : memref<160x64xf32, #tpu.memory_space<vmem>>, vector<16xf32>,
      %swap3A_151 = arith.index_cast %scan3A_144 : i32 to index
      %swap3A_152 = arith.constant 32 : index
      %swap3A_153 = tpu.vector_load %arg9[%swap3A_151, %swap3A_152] {strides = array<i32>} : memref<160x64xf32, #tpu.memory_space<vmem>>, vector<16xf32>,
      tpu.vector_store %arg9[%swap3A_151, %swap3A_152], %broadcast_in_dim3A_3 {strides = array<i32>} : memref<160x64xf32, #tpu.memory_space<vmem>>, vector<16xf32>,
      %swap3A_154 = arith.index_cast %scan3A_144 : i32 to index
      %swap3A_155 = arith.constant 48 : index
      %swap3A_156 = tpu.vector_load %arg9[%swap3A_154, %swap3A_155] {strides = array<i32>} : memref<160x64xf32, #tpu.memory_space<vmem>>, vector<16xf32>,
      tpu.vector_store %arg9[%swap3A_154, %swap3A_155], %broadcast_in_dim3A_3 {strides = array<i32>} : memref<160x64xf32, #tpu.memory_space<vmem>>, vector<16xf32>,
      %scan3A_157 = arith.constant 0 : i32
      scf.yield %scan3A_157 : i32
    }
    %scan3A_89 = arith.constant 160 : i32
    %scan3A_90 = arith.constant 0 : i32
    %scan3A_91 = arith.constant 0 : i32
    %scan3A_92 = arith.constant 640 : i32
    %scan3A_93 = arith.addi %scan3A_91, %scan3A_92 : i32
    %scan3A_94 = arith.constant 1 : i32
    %scan3A_95 = scf.for %scan3A_144 = %scan3A_91 to %scan3A_93 step %scan3A_94 iter_args(%scan3A_145 = %scan3A_90) -> (i32)  : i32 {
      %swap3A = arith.index_cast %scan3A_144 : i32 to index
      %swap3A_146 = arith.constant 0 : index
      %swap3A_147 = tpu.vector_load %arg10[%swap3A, %swap3A_146] {strides = array<i32>} : memref<640x16xf32, #tpu.memory_space<vmem>>, vector<16xf32>,
      tpu.vector_store %arg10[%swap3A, %swap3A_146], %broadcast_in_dim3A_3 {strides = array<i32>} : memref<640x16xf32, #tpu.memory_space<vmem>>, vector<16xf32>,
      %scan3A_148 = arith.constant 0 : i32
      scf.yield %scan3A_148 : i32
    }
    %scan3A_96 = arith.constant 640 : i32
    %scan3A_97 = arith.constant 0 : i32
    %scan3A_98 = arith.constant 0 : i32
    %scan3A_99 = arith.constant 4 : i32
    %scan3A_100 = arith.addi %scan3A_98, %scan3A_99 : i32
    %scan3A_101 = arith.constant 1 : i32
    %scan3A_102 = scf.for %scan3A_144 = %scan3A_98 to %scan3A_100 step %scan3A_101 iter_args(%scan3A_145 = %scan3A_97) -> (i32)  : i32 {
      %mul3A_146 = arith.constant 640 : i32
      %mul3A_147 = arith.muli %arg1, %mul3A_146 : i32
      %mul3A_148 = arith.constant 160 : i32
      %mul3A_149 = arith.muli %scan3A_144, %mul3A_148 : i32
      %add3A_150 = arith.addi %mul3A_147, %mul3A_149 : i32
      "tpu.region"() ({
        %run_scoped3A = tpu.sem_alloc : memref<!tpu.dma_semaphore, #tpu.memory_space<semaphore_mem>>
        %dma_start3A_152 = arith.constant 0 : i32
        %dma_start3A_153 = tpu.memref_slice %arg12[%add3A_150, %dma_start3A_152] : memref<10240x64xf32, #tpu.memory_space<vmem_shared>> -> memref<160x64xf32, #tpu.memory_space<vmem_shared>>
        %dma_start3A_154 = arith.constant 0 : i32
        %dma_start3A_155 = tpu.memref_slice %arg12[%add3A_150, %dma_start3A_154] : memref<10240x64xf32, #tpu.memory_space<vmem_shared>> -> memref<160x64xf32, #tpu.memory_space<vmem_shared>>
        tpu.enqueue_dma source(%arg9 : memref<160x64xf32, #tpu.memory_space<vmem>>) target(%dma_start3A_155 : memref<160x64xf32, #tpu.memory_space<vmem_shared>>) target_semaphore(%run_scoped3A : memref<!tpu.dma_semaphore, #tpu.memory_space<semaphore_mem>>)
        %dma_wait3A_156 = arith.constant 0 : i32
        %dma_wait3A_157 = tpu.memref_slice %arg12[%add3A_150, %dma_wait3A_156] : memref<10240x64xf32, #tpu.memory_space<vmem_shared>> -> memref<160x64xf32, #tpu.memory_space<vmem_shared>>
        %dma_wait3A_158 = arith.constant 0 : i32
        %dma_wait3A_159 = tpu.memref_slice %arg12[%add3A_150, %dma_wait3A_158] : memref<10240x64xf32, #tpu.memory_space<vmem_shared>> -> memref<160x64xf32, #tpu.memory_space<vmem_shared>>
        tpu.wait_dma2 semaphore(%run_scoped3A : memref<!tpu.dma_semaphore, #tpu.memory_space<semaphore_mem>>) src(%arg9 : memref<160x64xf32, #tpu.memory_space<vmem>>) dst(%dma_wait3A_159 : memref<160x64xf32, #tpu.memory_space<vmem_shared>>)
        tpu.yield
      }) : () -> ()
      %scan3A_151 = arith.constant 0 : i32
      scf.yield %scan3A_151 : i32
    }
    %scan3A_103 = arith.constant 4 : i32
    %mul3A_104 = arith.constant 640 : i32
    %mul3A_105 = arith.muli %arg1, %mul3A_104 : i32
    "tpu.region"() ({
      %run_scoped3A = tpu.sem_alloc : memref<!tpu.dma_semaphore, #tpu.memory_space<semaphore_mem>>
      %dma_start3A_144 = arith.constant 0 : i32
      %dma_start3A_145 = tpu.memref_slice %arg13[%mul3A_105, %dma_start3A_144] : memref<10240x16xf32, #tpu.memory_space<vmem_shared>> -> memref<640x16xf32, #tpu.memory_space<vmem_shared>>
      %dma_start3A_146 = arith.constant 0 : i32
      %dma_start3A_147 = tpu.memref_slice %arg13[%mul3A_105, %dma_start3A_146] : memref<10240x16xf32, #tpu.memory_space<vmem_shared>> -> memref<640x16xf32, #tpu.memory_space<vmem_shared>>
      tpu.enqueue_dma source(%arg10 : memref<640x16xf32, #tpu.memory_space<vmem>>) target(%dma_start3A_147 : memref<640x16xf32, #tpu.memory_space<vmem_shared>>) target_semaphore(%run_scoped3A : memref<!tpu.dma_semaphore, #tpu.memory_space<semaphore_mem>>)
      %dma_wait3A_148 = arith.constant 0 : i32
      %dma_wait3A_149 = tpu.memref_slice %arg13[%mul3A_105, %dma_wait3A_148] : memref<10240x16xf32, #tpu.memory_space<vmem_shared>> -> memref<640x16xf32, #tpu.memory_space<vmem_shared>>
      %dma_wait3A_150 = arith.constant 0 : i32
      %dma_wait3A_151 = tpu.memref_slice %arg13[%mul3A_105, %dma_wait3A_150] : memref<10240x16xf32, #tpu.memory_space<vmem_shared>> -> memref<640x16xf32, #tpu.memory_space<vmem_shared>>
      tpu.wait_dma2 semaphore(%run_scoped3A : memref<!tpu.dma_semaphore, #tpu.memory_space<semaphore_mem>>) src(%arg10 : memref<640x16xf32, #tpu.memory_space<vmem>>) dst(%dma_wait3A_151 : memref<640x16xf32, #tpu.memory_space<vmem_shared>>)
      tpu.yield
    }) : () -> ()
    %dma_wait3A = arith.constant 0 : i32
    %dma_wait3A_106 = arith.constant 0 : i32
    %dma_wait3A_107 = tpu.memref_slice %arg3[%arg1, %dma_wait3A, %dma_wait3A_106] : memref<16x250x80xi32, #tpu.memory_space<hbm>> -> memref<1x250x80xi32, #tpu.memory_space<hbm>>
    %dma_wait3A_108 = tpu.memref_squeeze %dma_wait3A_107 : memref<1x250x80xi32, #tpu.memory_space<hbm>> -> memref<250x80xi32, #tpu.memory_space<hbm>>
    %dma_wait3A_109 = arith.constant 0 : i32
    %dma_wait3A_110 = arith.constant 0 : i32
    %dma_wait3A_111 = tpu.memref_slice %arg3[%arg1, %dma_wait3A_109, %dma_wait3A_110] : memref<16x250x80xi32, #tpu.memory_space<hbm>> -> memref<1x250x80xi32, #tpu.memory_space<hbm>>
    %dma_wait3A_112 = tpu.memref_squeeze %dma_wait3A_111 : memref<1x250x80xi32, #tpu.memory_space<hbm>> -> memref<250x80xi32, #tpu.memory_space<hbm>>
    tpu.wait_dma2 semaphore(%arg19 : memref<!tpu.dma_semaphore, #tpu.memory_space<semaphore_mem>>) src(%dma_wait3A_112 : memref<250x80xi32, #tpu.memory_space<hbm>>) dst(%arg7 : memref<250x80xi32, #tpu.memory_space<vmem>>)
    %barrier3A = arith.constant 0 : index
    tpu.barrier barrier_id(%barrier3A)
    %scan3A_113 = arith.constant 0 : i32
    %scan3A_114 = arith.constant 0 : i32
    %scan3A_115 = arith.constant 50 : i32
    %scan3A_116 = arith.addi %scan3A_114, %scan3A_115 : i32
    %scan3A_117 = arith.constant 1 : i32
    %scan3A_118 = scf.for %scan3A_144 = %scan3A_114 to %scan3A_116 step %scan3A_117 iter_args(%scan3A_145 = %scan3A_113) -> (i32)  : i32 {
      %mul3A_146 = arith.constant 5 : i32
      %mul3A_147 = arith.muli %scan3A_144, %mul3A_146 : i32
      %dma_wait3A_148 = arith.constant 0 : i32
      %dma_wait3A_149 = arith.constant 0 : i32
      %dma_wait3A_150 = arith.constant 0 : i32
      %dma_wait3A_151 = tpu.memref_slice %arg6[%dma_wait3A_148, %dma_wait3A_149, %dma_wait3A_150] : memref<5x80x64xf32, #tpu.memory_space<vmem>> -> memref<1x80x64xf32, #tpu.memory_space<vmem>>
      %dma_wait3A_152 = tpu.memref_squeeze %dma_wait3A_151 : memref<1x80x64xf32, #tpu.memory_space<vmem>> -> memref<80x64xf32, #tpu.memory_space<vmem>>
      %dma_wait3A_153 = tpu.memref_slice %arg2[%mul3A_0, %mul3A_2] : memref<320000x128xf32, #tpu.memory_space<hbm>> -> memref<80x64xf32, #tpu.memory_space<hbm>>
      %dma_wait3A_154 = arith.constant 0 : i32
      %dma_wait3A_155 = arith.constant 0 : i32
      %dma_wait3A_156 = tpu.memref_slice %arg6[%dma_wait3A_148, %dma_wait3A_154, %dma_wait3A_155] : memref<5x80x64xf32, #tpu.memory_space<vmem>> -> memref<1x80x64xf32, #tpu.memory_space<vmem>>
      %dma_wait3A_157 = tpu.memref_squeeze %dma_wait3A_156 : memref<1x80x64xf32, #tpu.memory_space<vmem>> -> memref<80x64xf32, #tpu.memory_space<vmem>>
      %dma_wait3A_158 = tpu.memref_slice %arg2[%mul3A_0, %mul3A_2] : memref<320000x128xf32, #tpu.memory_space<hbm>> -> memref<80x64xf32, #tpu.memory_space<hbm>>
      tpu.wait_dma2 semaphore(%arg14 : memref<!tpu.dma_semaphore, #tpu.memory_space<semaphore_mem>>) src(%dma_wait3A_158 : memref<80x64xf32, #tpu.memory_space<hbm>>) dst(%dma_wait3A_157 : memref<80x64xf32, #tpu.memory_space<vmem>>)
      %add3A_159 = arith.constant 0 : i32
      %add3A_160 = arith.addi %mul3A_147, %add3A_159 : i32
      %dma_start3A_161 = arith.constant 0 : i32
      %dma_start3A_162 = arith.constant 0 : i32
      %dma_start3A_163 = arith.constant 0 : i32
      %dma_start3A_164 = tpu.memref_slice %arg6[%dma_start3A_161, %dma_start3A_162, %dma_start3A_163] : memref<5x80x64xf32, #tpu.memory_space<vmem>> -> memref<1x80x64xf32, #tpu.memory_space<vmem>>
      %dma_start3A_165 = tpu.memref_squeeze %dma_start3A_164 : memref<1x80x64xf32, #tpu.memory_space<vmem>> -> memref<80x64xf32, #tpu.memory_space<vmem>>
      %dma_start3A_166 = arith.constant 0 : i32
      %dma_start3A_167 = tpu.memref_slice %arg7[%add3A_160, %dma_start3A_166] : memref<250x80xi32, #tpu.memory_space<vmem>> -> memref<1x80xi32, #tpu.memory_space<vmem>>
      %dma_start3A_168 = tpu.memref_squeeze %dma_start3A_167 : memref<1x80xi32, #tpu.memory_space<vmem>> -> memref<80xi32, #tpu.memory_space<vmem>>
      %dma_start3A_169 = arith.constant 0 : i32
      %dma_start3A_170 = arith.constant 0 : i32
      %dma_start3A_171 = tpu.memref_slice %arg12[%dma_start3A_169, %dma_start3A_170] : memref<10240x64xf32, #tpu.memory_space<vmem_shared>> -> memref<10240x64xf32, #tpu.memory_space<vmem_shared>>
      tpu.enqueue_indirect_dma source(%dma_start3A_165 : memref<80x64xf32, #tpu.memory_space<vmem>>) target(%dma_start3A_171 : memref<10240x64xf32, #tpu.memory_space<vmem_shared>>) offsets(%dma_start3A_168 : memref<80xi32, #tpu.memory_space<vmem>>) semaphore(%arg19 : memref<!tpu.dma_semaphore, #tpu.memory_space<semaphore_mem>>) {add = true}
      %jit3A = arith.constant 2 : i32
      %eq3A = arith.constant 0 : i32
      %eq3A_172 = arith.cmpi eq, %jit3A, %eq3A : i32
      %jit3A_173 = arith.constant 1 : i32
      %select_n3A = arith.select %eq3A_172, %jit3A_173, %jit3A : i32
      %rem3A = arith.remsi %add3A_160, %select_n3A : i32
      %ne3A = arith.constant 0 : i32
      %ne3A_174 = arith.cmpi ne, %rem3A, %ne3A : i32
      %lt3A = arith.constant 0 : i32
      %lt3A_175 = arith.cmpi slt, %rem3A, %lt3A : i32
      %lt3A_176 = arith.constant 0 : i32
      %lt3A_177 = arith.cmpi slt, %select_n3A, %lt3A_176 : i32
      %ne3A_178 = arith.xori %lt3A_175, %lt3A_177 : i1
      %and3A = arith.andi %ne3A_178, %ne3A_174 : i1
      %add3A_179 = arith.addi %rem3A, %select_n3A : i32
      %select_n3A_180 = arith.select %and3A, %add3A_179, %rem3A : i32
      %eq3A_181 = arith.cmpi eq, %arg0, %select_n3A_180 : i32
      %convert_element_type3A = arith.extui %eq3A_181 : i1 to i32
      %cond3A = arith.constant 0 : i32
      %cond3A_182 = arith.cmpi ne, %convert_element_type3A, %cond3A : i32
      scf.if %cond3A_182 {
        %dma_start3A_555 = arith.constant 0 : i32
        %dma_start3A_556 = tpu.memref_slice %arg7[%add3A_160, %dma_start3A_555] : memref<250x80xi32, #tpu.memory_space<vmem>> -> memref<1x80xi32, #tpu.memory_space<vmem>>
        %dma_start3A_557 = tpu.memref_squeeze %dma_start3A_556 : memref<1x80xi32, #tpu.memory_space<vmem>> -> memref<80xi32, #tpu.memory_space<vmem>>
        %dma_start3A_558 = arith.constant 0 : i32
        %dma_start3A_559 = arith.constant 0 : i32
        %dma_start3A_560 = tpu.memref_slice %arg13[%dma_start3A_558, %dma_start3A_559] : memref<10240x16xf32, #tpu.memory_space<vmem_shared>> -> memref<10240x16xf32, #tpu.memory_space<vmem_shared>>
        tpu.enqueue_indirect_dma source(%arg8 : memref<80x16xf32, #tpu.memory_space<vmem>>) target(%dma_start3A_560 : memref<10240x16xf32, #tpu.memory_space<vmem_shared>>) offsets(%dma_start3A_557 : memref<80xi32, #tpu.memory_space<vmem>>) semaphore(%arg19 : memref<!tpu.dma_semaphore, #tpu.memory_space<semaphore_mem>>) {add = true}
      } else {
      }
      %dma_wait3A_183 = arith.constant 1 : i32
      %dma_wait3A_184 = arith.constant 0 : i32
      %dma_wait3A_185 = arith.constant 0 : i32
      %dma_wait3A_186 = tpu.memref_slice %arg6[%dma_wait3A_183, %dma_wait3A_184, %dma_wait3A_185] : memref<5x80x64xf32, #tpu.memory_space<vmem>> -> memref<1x80x64xf32, #tpu.memory_space<vmem>>
      %dma_wait3A_187 = tpu.memref_squeeze %dma_wait3A_186 : memref<1x80x64xf32, #tpu.memory_space<vmem>> -> memref<80x64xf32, #tpu.memory_space<vmem>>
      %dma_wait3A_188 = tpu.memref_slice %arg2[%mul3A_0, %mul3A_2] : memref<320000x128xf32, #tpu.memory_space<hbm>> -> memref<80x64xf32, #tpu.memory_space<hbm>>
      %dma_wait3A_189 = arith.constant 0 : i32
      %dma_wait3A_190 = arith.constant 0 : i32
      %dma_wait3A_191 = tpu.memref_slice %arg6[%dma_wait3A_183, %dma_wait3A_189, %dma_wait3A_190] : memref<5x80x64xf32, #tpu.memory_space<vmem>> -> memref<1x80x64xf32, #tpu.memory_space<vmem>>
      %dma_wait3A_192 = tpu.memref_squeeze %dma_wait3A_191 : memref<1x80x64xf32, #tpu.memory_space<vmem>> -> memref<80x64xf32, #tpu.memory_space<vmem>>
      %dma_wait3A_193 = tpu.memref_slice %arg2[%mul3A_0, %mul3A_2] : memref<320000x128xf32, #tpu.memory_space<hbm>> -> memref<80x64xf32, #tpu.memory_space<hbm>>
      tpu.wait_dma2 semaphore(%arg15 : memref<!tpu.dma_semaphore, #tpu.memory_space<semaphore_mem>>) src(%dma_wait3A_193 : memref<80x64xf32, #tpu.memory_space<hbm>>) dst(%dma_wait3A_192 : memref<80x64xf32, #tpu.memory_space<vmem>>)
      %add3A_194 = arith.constant 1 : i32
      %add3A_195 = arith.addi %mul3A_147, %add3A_194 : i32
      %dma_start3A_196 = arith.constant 1 : i32
      %dma_start3A_197 = arith.constant 0 : i32
      %dma_start3A_198 = arith.constant 0 : i32
      %dma_start3A_199 = tpu.memref_slice %arg6[%dma_start3A_196, %dma_start3A_197, %dma_start3A_198] : memref<5x80x64xf32, #tpu.memory_space<vmem>> -> memref<1x80x64xf32, #tpu.memory_space<vmem>>
      %dma_start3A_200 = tpu.memref_squeeze %dma_start3A_199 : memref<1x80x64xf32, #tpu.memory_space<vmem>> -> memref<80x64xf32, #tpu.memory_space<vmem>>
      %dma_start3A_201 = arith.constant 0 : i32
      %dma_start3A_202 = tpu.memref_slice %arg7[%add3A_195, %dma_start3A_201] : memref<250x80xi32, #tpu.memory_space<vmem>> -> memref<1x80xi32, #tpu.memory_space<vmem>>
      %dma_start3A_203 = tpu.memref_squeeze %dma_start3A_202 : memref<1x80xi32, #tpu.memory_space<vmem>> -> memref<80xi32, #tpu.memory_space<vmem>>
      %dma_start3A_204 = arith.constant 0 : i32
      %dma_start3A_205 = arith.constant 0 : i32
      %dma_start3A_206 = tpu.memref_slice %arg12[%dma_start3A_204, %dma_start3A_205] : memref<10240x64xf32, #tpu.memory_space<vmem_shared>> -> memref<10240x64xf32, #tpu.memory_space<vmem_shared>>
      tpu.enqueue_indirect_dma source(%dma_start3A_200 : memref<80x64xf32, #tpu.memory_space<vmem>>) target(%dma_start3A_206 : memref<10240x64xf32, #tpu.memory_space<vmem_shared>>) offsets(%dma_start3A_203 : memref<80xi32, #tpu.memory_space<vmem>>) semaphore(%arg20 : memref<!tpu.dma_semaphore, #tpu.memory_space<semaphore_mem>>) {add = true}
      %jit3A_207 = arith.constant 2 : i32
      %eq3A_208 = arith.constant 0 : i32
      %eq3A_209 = arith.cmpi eq, %jit3A_207, %eq3A_208 : i32
      %jit3A_210 = arith.constant 1 : i32
      %select_n3A_211 = arith.select %eq3A_209, %jit3A_210, %jit3A_207 : i32
      %rem3A_212 = arith.remsi %add3A_195, %select_n3A_211 : i32
      %ne3A_213 = arith.constant 0 : i32
      %ne3A_214 = arith.cmpi ne, %rem3A_212, %ne3A_213 : i32
      %lt3A_215 = arith.constant 0 : i32
      %lt3A_216 = arith.cmpi slt, %rem3A_212, %lt3A_215 : i32
      %lt3A_217 = arith.constant 0 : i32
      %lt3A_218 = arith.cmpi slt, %select_n3A_211, %lt3A_217 : i32
      %ne3A_219 = arith.xori %lt3A_216, %lt3A_218 : i1
      %and3A_220 = arith.andi %ne3A_219, %ne3A_214 : i1
      %add3A_221 = arith.addi %rem3A_212, %select_n3A_211 : i32
      %select_n3A_222 = arith.select %and3A_220, %add3A_221, %rem3A_212 : i32
      %eq3A_223 = arith.cmpi eq, %arg0, %select_n3A_222 : i32
      %convert_element_type3A_224 = arith.extui %eq3A_223 : i1 to i32
      %cond3A_225 = arith.constant 0 : i32
      %cond3A_226 = arith.cmpi ne, %convert_element_type3A_224, %cond3A_225 : i32
      scf.if %cond3A_226 {
        %dma_start3A_555 = arith.constant 0 : i32
        %dma_start3A_556 = tpu.memref_slice %arg7[%add3A_195, %dma_start3A_555] : memref<250x80xi32, #tpu.memory_space<vmem>> -> memref<1x80xi32, #tpu.memory_space<vmem>>
        %dma_start3A_557 = tpu.memref_squeeze %dma_start3A_556 : memref<1x80xi32, #tpu.memory_space<vmem>> -> memref<80xi32, #tpu.memory_space<vmem>>
        %dma_start3A_558 = arith.constant 0 : i32
        %dma_start3A_559 = arith.constant 0 : i32
        %dma_start3A_560 = tpu.memref_slice %arg13[%dma_start3A_558, %dma_start3A_559] : memref<10240x16xf32, #tpu.memory_space<vmem_shared>> -> memref<10240x16xf32, #tpu.memory_space<vmem_shared>>
        tpu.enqueue_indirect_dma source(%arg8 : memref<80x16xf32, #tpu.memory_space<vmem>>) target(%dma_start3A_560 : memref<10240x16xf32, #tpu.memory_space<vmem_shared>>) offsets(%dma_start3A_557 : memref<80xi32, #tpu.memory_space<vmem>>) semaphore(%arg20 : memref<!tpu.dma_semaphore, #tpu.memory_space<semaphore_mem>>) {add = true}
      } else {
      }
      %dma_wait3A_227 = arith.constant 2 : i32
      %dma_wait3A_228 = arith.constant 0 : i32
      %dma_wait3A_229 = arith.constant 0 : i32
      %dma_wait3A_230 = tpu.memref_slice %arg6[%dma_wait3A_227, %dma_wait3A_228, %dma_wait3A_229] : memref<5x80x64xf32, #tpu.memory_space<vmem>> -> memref<1x80x64xf32, #tpu.memory_space<vmem>>
      %dma_wait3A_231 = tpu.memref_squeeze %dma_wait3A_230 : memref<1x80x64xf32, #tpu.memory_space<vmem>> -> memref<80x64xf32, #tpu.memory_space<vmem>>
      %dma_wait3A_232 = tpu.memref_slice %arg2[%mul3A_0, %mul3A_2] : memref<320000x128xf32, #tpu.memory_space<hbm>> -> memref<80x64xf32, #tpu.memory_space<hbm>>
      %dma_wait3A_233 = arith.constant 0 : i32
      %dma_wait3A_234 = arith.constant 0 : i32
      %dma_wait3A_235 = tpu.memref_slice %arg6[%dma_wait3A_227, %dma_wait3A_233, %dma_wait3A_234] : memref<5x80x64xf32, #tpu.memory_space<vmem>> -> memref<1x80x64xf32, #tpu.memory_space<vmem>>
      %dma_wait3A_236 = tpu.memref_squeeze %dma_wait3A_235 : memref<1x80x64xf32, #tpu.memory_space<vmem>> -> memref<80x64xf32, #tpu.memory_space<vmem>>
      %dma_wait3A_237 = tpu.memref_slice %arg2[%mul3A_0, %mul3A_2] : memref<320000x128xf32, #tpu.memory_space<hbm>> -> memref<80x64xf32, #tpu.memory_space<hbm>>
      tpu.wait_dma2 semaphore(%arg16 : memref<!tpu.dma_semaphore, #tpu.memory_space<semaphore_mem>>) src(%dma_wait3A_237 : memref<80x64xf32, #tpu.memory_space<hbm>>) dst(%dma_wait3A_236 : memref<80x64xf32, #tpu.memory_space<vmem>>)
      %add3A_238 = arith.constant 2 : i32
      %add3A_239 = arith.addi %mul3A_147, %add3A_238 : i32
      %dma_start3A_240 = arith.constant 2 : i32
      %dma_start3A_241 = arith.constant 0 : i32
      %dma_start3A_242 = arith.constant 0 : i32
      %dma_start3A_243 = tpu.memref_slice %arg6[%dma_start3A_240, %dma_start3A_241, %dma_start3A_242] : memref<5x80x64xf32, #tpu.memory_space<vmem>> -> memref<1x80x64xf32, #tpu.memory_space<vmem>>
      %dma_start3A_244 = tpu.memref_squeeze %dma_start3A_243 : memref<1x80x64xf32, #tpu.memory_space<vmem>> -> memref<80x64xf32, #tpu.memory_space<vmem>>
      %dma_start3A_245 = arith.constant 0 : i32
      %dma_start3A_246 = tpu.memref_slice %arg7[%add3A_239, %dma_start3A_245] : memref<250x80xi32, #tpu.memory_space<vmem>> -> memref<1x80xi32, #tpu.memory_space<vmem>>
      %dma_start3A_247 = tpu.memref_squeeze %dma_start3A_246 : memref<1x80xi32, #tpu.memory_space<vmem>> -> memref<80xi32, #tpu.memory_space<vmem>>
      %dma_start3A_248 = arith.constant 0 : i32
      %dma_start3A_249 = arith.constant 0 : i32
      %dma_start3A_250 = tpu.memref_slice %arg12[%dma_start3A_248, %dma_start3A_249] : memref<10240x64xf32, #tpu.memory_space<vmem_shared>> -> memref<10240x64xf32, #tpu.memory_space<vmem_shared>>
      tpu.enqueue_indirect_dma source(%dma_start3A_244 : memref<80x64xf32, #tpu.memory_space<vmem>>) target(%dma_start3A_250 : memref<10240x64xf32, #tpu.memory_space<vmem_shared>>) offsets(%dma_start3A_247 : memref<80xi32, #tpu.memory_space<vmem>>) semaphore(%arg21 : memref<!tpu.dma_semaphore, #tpu.memory_space<semaphore_mem>>) {add = true}
      %jit3A_251 = arith.constant 2 : i32
      %eq3A_252 = arith.constant 0 : i32
      %eq3A_253 = arith.cmpi eq, %jit3A_251, %eq3A_252 : i32
      %jit3A_254 = arith.constant 1 : i32
      %select_n3A_255 = arith.select %eq3A_253, %jit3A_254, %jit3A_251 : i32
      %rem3A_256 = arith.remsi %add3A_239, %select_n3A_255 : i32
      %ne3A_257 = arith.constant 0 : i32
      %ne3A_258 = arith.cmpi ne, %rem3A_256, %ne3A_257 : i32
      %lt3A_259 = arith.constant 0 : i32
      %lt3A_260 = arith.cmpi slt, %rem3A_256, %lt3A_259 : i32
      %lt3A_261 = arith.constant 0 : i32
      %lt3A_262 = arith.cmpi slt, %select_n3A_255, %lt3A_261 : i32
      %ne3A_263 = arith.xori %lt3A_260, %lt3A_262 : i1
      %and3A_264 = arith.andi %ne3A_263, %ne3A_258 : i1
      %add3A_265 = arith.addi %rem3A_256, %select_n3A_255 : i32
      %select_n3A_266 = arith.select %and3A_264, %add3A_265, %rem3A_256 : i32
      %eq3A_267 = arith.cmpi eq, %arg0, %select_n3A_266 : i32
      %convert_element_type3A_268 = arith.extui %eq3A_267 : i1 to i32
      %cond3A_269 = arith.constant 0 : i32
      %cond3A_270 = arith.cmpi ne, %convert_element_type3A_268, %cond3A_269 : i32
      scf.if %cond3A_270 {
        %dma_start3A_555 = arith.constant 0 : i32
        %dma_start3A_556 = tpu.memref_slice %arg7[%add3A_239, %dma_start3A_555] : memref<250x80xi32, #tpu.memory_space<vmem>> -> memref<1x80xi32, #tpu.memory_space<vmem>>
        %dma_start3A_557 = tpu.memref_squeeze %dma_start3A_556 : memref<1x80xi32, #tpu.memory_space<vmem>> -> memref<80xi32, #tpu.memory_space<vmem>>
        %dma_start3A_558 = arith.constant 0 : i32
        %dma_start3A_559 = arith.constant 0 : i32
        %dma_start3A_560 = tpu.memref_slice %arg13[%dma_start3A_558, %dma_start3A_559] : memref<10240x16xf32, #tpu.memory_space<vmem_shared>> -> memref<10240x16xf32, #tpu.memory_space<vmem_shared>>
        tpu.enqueue_indirect_dma source(%arg8 : memref<80x16xf32, #tpu.memory_space<vmem>>) target(%dma_start3A_560 : memref<10240x16xf32, #tpu.memory_space<vmem_shared>>) offsets(%dma_start3A_557 : memref<80xi32, #tpu.memory_space<vmem>>) semaphore(%arg21 : memref<!tpu.dma_semaphore, #tpu.memory_space<semaphore_mem>>) {add = true}
      } else {
      }
      %dma_wait3A_271 = arith.constant 3 : i32
      %dma_wait3A_272 = arith.constant 0 : i32
      %dma_wait3A_273 = arith.constant 0 : i32
      %dma_wait3A_274 = tpu.memref_slice %arg6[%dma_wait3A_271, %dma_wait3A_272, %dma_wait3A_273] : memref<5x80x64xf32, #tpu.memory_space<vmem>> -> memref<1x80x64xf32, #tpu.memory_space<vmem>>
      %dma_wait3A_275 = tpu.memref_squeeze %dma_wait3A_274 : memref<1x80x64xf32, #tpu.memory_space<vmem>> -> memref<80x64xf32, #tpu.memory_space<vmem>>
      %dma_wait3A_276 = tpu.memref_slice %arg2[%mul3A_0, %mul3A_2] : memref<320000x128xf32, #tpu.memory_space<hbm>> -> memref<80x64xf32, #tpu.memory_space<hbm>>
      %dma_wait3A_277 = arith.constant 0 : i32
      %dma_wait3A_278 = arith.constant 0 : i32
      %dma_wait3A_279 = tpu.memref_slice %arg6[%dma_wait3A_271, %dma_wait3A_277, %dma_wait3A_278] : memref<5x80x64xf32, #tpu.memory_space<vmem>> -> memref<1x80x64xf32, #tpu.memory_space<vmem>>
      %dma_wait3A_280 = tpu.memref_squeeze %dma_wait3A_279 : memref<1x80x64xf32, #tpu.memory_space<vmem>> -> memref<80x64xf32, #tpu.memory_space<vmem>>
      %dma_wait3A_281 = tpu.memref_slice %arg2[%mul3A_0, %mul3A_2] : memref<320000x128xf32, #tpu.memory_space<hbm>> -> memref<80x64xf32, #tpu.memory_space<hbm>>
      tpu.wait_dma2 semaphore(%arg17 : memref<!tpu.dma_semaphore, #tpu.memory_space<semaphore_mem>>) src(%dma_wait3A_281 : memref<80x64xf32, #tpu.memory_space<hbm>>) dst(%dma_wait3A_280 : memref<80x64xf32, #tpu.memory_space<vmem>>)
      %add3A_282 = arith.constant 3 : i32
      %add3A_283 = arith.addi %mul3A_147, %add3A_282 : i32
      %dma_start3A_284 = arith.constant 3 : i32
      %dma_start3A_285 = arith.constant 0 : i32
      %dma_start3A_286 = arith.constant 0 : i32
      %dma_start3A_287 = tpu.memref_slice %arg6[%dma_start3A_284, %dma_start3A_285, %dma_start3A_286] : memref<5x80x64xf32, #tpu.memory_space<vmem>> -> memref<1x80x64xf32, #tpu.memory_space<vmem>>
      %dma_start3A_288 = tpu.memref_squeeze %dma_start3A_287 : memref<1x80x64xf32, #tpu.memory_space<vmem>> -> memref<80x64xf32, #tpu.memory_space<vmem>>
      %dma_start3A_289 = arith.constant 0 : i32
      %dma_start3A_290 = tpu.memref_slice %arg7[%add3A_283, %dma_start3A_289] : memref<250x80xi32, #tpu.memory_space<vmem>> -> memref<1x80xi32, #tpu.memory_space<vmem>>
      %dma_start3A_291 = tpu.memref_squeeze %dma_start3A_290 : memref<1x80xi32, #tpu.memory_space<vmem>> -> memref<80xi32, #tpu.memory_space<vmem>>
      %dma_start3A_292 = arith.constant 0 : i32
      %dma_start3A_293 = arith.constant 0 : i32
      %dma_start3A_294 = tpu.memref_slice %arg12[%dma_start3A_292, %dma_start3A_293] : memref<10240x64xf32, #tpu.memory_space<vmem_shared>> -> memref<10240x64xf32, #tpu.memory_space<vmem_shared>>
      tpu.enqueue_indirect_dma source(%dma_start3A_288 : memref<80x64xf32, #tpu.memory_space<vmem>>) target(%dma_start3A_294 : memref<10240x64xf32, #tpu.memory_space<vmem_shared>>) offsets(%dma_start3A_291 : memref<80xi32, #tpu.memory_space<vmem>>) semaphore(%arg22 : memref<!tpu.dma_semaphore, #tpu.memory_space<semaphore_mem>>) {add = true}
      %jit3A_295 = arith.constant 2 : i32
      %eq3A_296 = arith.constant 0 : i32
      %eq3A_297 = arith.cmpi eq, %jit3A_295, %eq3A_296 : i32
      %jit3A_298 = arith.constant 1 : i32
      %select_n3A_299 = arith.select %eq3A_297, %jit3A_298, %jit3A_295 : i32
      %rem3A_300 = arith.remsi %add3A_283, %select_n3A_299 : i32
      %ne3A_301 = arith.constant 0 : i32
      %ne3A_302 = arith.cmpi ne, %rem3A_300, %ne3A_301 : i32
      %lt3A_303 = arith.constant 0 : i32
      %lt3A_304 = arith.cmpi slt, %rem3A_300, %lt3A_303 : i32
      %lt3A_305 = arith.constant 0 : i32
      %lt3A_306 = arith.cmpi slt, %select_n3A_299, %lt3A_305 : i32
      %ne3A_307 = arith.xori %lt3A_304, %lt3A_306 : i1
      %and3A_308 = arith.andi %ne3A_307, %ne3A_302 : i1
      %add3A_309 = arith.addi %rem3A_300, %select_n3A_299 : i32
      %select_n3A_310 = arith.select %and3A_308, %add3A_309, %rem3A_300 : i32
      %eq3A_311 = arith.cmpi eq, %arg0, %select_n3A_310 : i32
      %convert_element_type3A_312 = arith.extui %eq3A_311 : i1 to i32
      %cond3A_313 = arith.constant 0 : i32
      %cond3A_314 = arith.cmpi ne, %convert_element_type3A_312, %cond3A_313 : i32
      scf.if %cond3A_314 {
        %dma_start3A_555 = arith.constant 0 : i32
        %dma_start3A_556 = tpu.memref_slice %arg7[%add3A_283, %dma_start3A_555] : memref<250x80xi32, #tpu.memory_space<vmem>> -> memref<1x80xi32, #tpu.memory_space<vmem>>
        %dma_start3A_557 = tpu.memref_squeeze %dma_start3A_556 : memref<1x80xi32, #tpu.memory_space<vmem>> -> memref<80xi32, #tpu.memory_space<vmem>>
        %dma_start3A_558 = arith.constant 0 : i32
        %dma_start3A_559 = arith.constant 0 : i32
        %dma_start3A_560 = tpu.memref_slice %arg13[%dma_start3A_558, %dma_start3A_559] : memref<10240x16xf32, #tpu.memory_space<vmem_shared>> -> memref<10240x16xf32, #tpu.memory_space<vmem_shared>>
        tpu.enqueue_indirect_dma source(%arg8 : memref<80x16xf32, #tpu.memory_space<vmem>>) target(%dma_start3A_560 : memref<10240x16xf32, #tpu.memory_space<vmem_shared>>) offsets(%dma_start3A_557 : memref<80xi32, #tpu.memory_space<vmem>>) semaphore(%arg22 : memref<!tpu.dma_semaphore, #tpu.memory_space<semaphore_mem>>) {add = true}
      } else {
      }
      %dma_wait3A_315 = arith.constant 4 : i32
      %dma_wait3A_316 = arith.constant 0 : i32
      %dma_wait3A_317 = arith.constant 0 : i32
      %dma_wait3A_318 = tpu.memref_slice %arg6[%dma_wait3A_315, %dma_wait3A_316, %dma_wait3A_317] : memref<5x80x64xf32, #tpu.memory_space<vmem>> -> memref<1x80x64xf32, #tpu.memory_space<vmem>>
      %dma_wait3A_319 = tpu.memref_squeeze %dma_wait3A_318 : memref<1x80x64xf32, #tpu.memory_space<vmem>> -> memref<80x64xf32, #tpu.memory_space<vmem>>
      %dma_wait3A_320 = tpu.memref_slice %arg2[%mul3A_0, %mul3A_2] : memref<320000x128xf32, #tpu.memory_space<hbm>> -> memref<80x64xf32, #tpu.memory_space<hbm>>
      %dma_wait3A_321 = arith.constant 0 : i32
      %dma_wait3A_322 = arith.constant 0 : i32
      %dma_wait3A_323 = tpu.memref_slice %arg6[%dma_wait3A_315, %dma_wait3A_321, %dma_wait3A_322] : memref<5x80x64xf32, #tpu.memory_space<vmem>> -> memref<1x80x64xf32, #tpu.memory_space<vmem>>
      %dma_wait3A_324 = tpu.memref_squeeze %dma_wait3A_323 : memref<1x80x64xf32, #tpu.memory_space<vmem>> -> memref<80x64xf32, #tpu.memory_space<vmem>>
      %dma_wait3A_325 = tpu.memref_slice %arg2[%mul3A_0, %mul3A_2] : memref<320000x128xf32, #tpu.memory_space<hbm>> -> memref<80x64xf32, #tpu.memory_space<hbm>>
      tpu.wait_dma2 semaphore(%arg18 : memref<!tpu.dma_semaphore, #tpu.memory_space<semaphore_mem>>) src(%dma_wait3A_325 : memref<80x64xf32, #tpu.memory_space<hbm>>) dst(%dma_wait3A_324 : memref<80x64xf32, #tpu.memory_space<vmem>>)
      %add3A_326 = arith.constant 4 : i32
      %add3A_327 = arith.addi %mul3A_147, %add3A_326 : i32
      %dma_start3A_328 = arith.constant 4 : i32
      %dma_start3A_329 = arith.constant 0 : i32
      %dma_start3A_330 = arith.constant 0 : i32
      %dma_start3A_331 = tpu.memref_slice %arg6[%dma_start3A_328, %dma_start3A_329, %dma_start3A_330] : memref<5x80x64xf32, #tpu.memory_space<vmem>> -> memref<1x80x64xf32, #tpu.memory_space<vmem>>
      %dma_start3A_332 = tpu.memref_squeeze %dma_start3A_331 : memref<1x80x64xf32, #tpu.memory_space<vmem>> -> memref<80x64xf32, #tpu.memory_space<vmem>>
      %dma_start3A_333 = arith.constant 0 : i32
      %dma_start3A_334 = tpu.memref_slice %arg7[%add3A_327, %dma_start3A_333] : memref<250x80xi32, #tpu.memory_space<vmem>> -> memref<1x80xi32, #tpu.memory_space<vmem>>
      %dma_start3A_335 = tpu.memref_squeeze %dma_start3A_334 : memref<1x80xi32, #tpu.memory_space<vmem>> -> memref<80xi32, #tpu.memory_space<vmem>>
      %dma_start3A_336 = arith.constant 0 : i32
      %dma_start3A_337 = arith.constant 0 : i32
      %dma_start3A_338 = tpu.memref_slice %arg12[%dma_start3A_336, %dma_start3A_337] : memref<10240x64xf32, #tpu.memory_space<vmem_shared>> -> memref<10240x64xf32, #tpu.memory_space<vmem_shared>>
      tpu.enqueue_indirect_dma source(%dma_start3A_332 : memref<80x64xf32, #tpu.memory_space<vmem>>) target(%dma_start3A_338 : memref<10240x64xf32, #tpu.memory_space<vmem_shared>>) offsets(%dma_start3A_335 : memref<80xi32, #tpu.memory_space<vmem>>) semaphore(%arg23 : memref<!tpu.dma_semaphore, #tpu.memory_space<semaphore_mem>>) {add = true}
      %jit3A_339 = arith.constant 2 : i32
      %eq3A_340 = arith.constant 0 : i32
      %eq3A_341 = arith.cmpi eq, %jit3A_339, %eq3A_340 : i32
      %jit3A_342 = arith.constant 1 : i32
      %select_n3A_343 = arith.select %eq3A_341, %jit3A_342, %jit3A_339 : i32
      %rem3A_344 = arith.remsi %add3A_327, %select_n3A_343 : i32
      %ne3A_345 = arith.constant 0 : i32
      %ne3A_346 = arith.cmpi ne, %rem3A_344, %ne3A_345 : i32
      %lt3A_347 = arith.constant 0 : i32
      %lt3A_348 = arith.cmpi slt, %rem3A_344, %lt3A_347 : i32
      %lt3A_349 = arith.constant 0 : i32
      %lt3A_350 = arith.cmpi slt, %select_n3A_343, %lt3A_349 : i32
      %ne3A_351 = arith.xori %lt3A_348, %lt3A_350 : i1
      %and3A_352 = arith.andi %ne3A_351, %ne3A_346 : i1
      %add3A_353 = arith.addi %rem3A_344, %select_n3A_343 : i32
      %select_n3A_354 = arith.select %and3A_352, %add3A_353, %rem3A_344 : i32
      %eq3A_355 = arith.cmpi eq, %arg0, %select_n3A_354 : i32
      %convert_element_type3A_356 = arith.extui %eq3A_355 : i1 to i32
      %cond3A_357 = arith.constant 0 : i32
      %cond3A_358 = arith.cmpi ne, %convert_element_type3A_356, %cond3A_357 : i32
      scf.if %cond3A_358 {
        %dma_start3A_555 = arith.constant 0 : i32
        %dma_start3A_556 = tpu.memref_slice %arg7[%add3A_327, %dma_start3A_555] : memref<250x80xi32, #tpu.memory_space<vmem>> -> memref<1x80xi32, #tpu.memory_space<vmem>>
        %dma_start3A_557 = tpu.memref_squeeze %dma_start3A_556 : memref<1x80xi32, #tpu.memory_space<vmem>> -> memref<80xi32, #tpu.memory_space<vmem>>
        %dma_start3A_558 = arith.constant 0 : i32
        %dma_start3A_559 = arith.constant 0 : i32
        %dma_start3A_560 = tpu.memref_slice %arg13[%dma_start3A_558, %dma_start3A_559] : memref<10240x16xf32, #tpu.memory_space<vmem_shared>> -> memref<10240x16xf32, #tpu.memory_space<vmem_shared>>
        tpu.enqueue_indirect_dma source(%arg8 : memref<80x16xf32, #tpu.memory_space<vmem>>) target(%dma_start3A_560 : memref<10240x16xf32, #tpu.memory_space<vmem_shared>>) offsets(%dma_start3A_557 : memref<80xi32, #tpu.memory_space<vmem>>) semaphore(%arg23 : memref<!tpu.dma_semaphore, #tpu.memory_space<semaphore_mem>>) {add = true}
      } else {
      }
      %add3A_359 = arith.constant 0 : i32
      %add3A_360 = arith.addi %mul3A_147, %add3A_359 : i32
      %dma_wait3A_361 = arith.constant 0 : i32
      %dma_wait3A_362 = arith.constant 0 : i32
      %dma_wait3A_363 = arith.constant 0 : i32
      %dma_wait3A_364 = arith.constant 0 : i32
      %dma_wait3A_365 = tpu.memref_slice %arg6[%dma_wait3A_361, %dma_wait3A_363, %dma_wait3A_364] : memref<5x80x64xf32, #tpu.memory_space<vmem>> -> memref<1x80x64xf32, #tpu.memory_space<vmem>>
      %dma_wait3A_366 = tpu.memref_squeeze %dma_wait3A_365 : memref<1x80x64xf32, #tpu.memory_space<vmem>> -> memref<80x64xf32, #tpu.memory_space<vmem>>
      %dma_wait3A_367 = arith.constant 0 : i32
      %dma_wait3A_368 = tpu.memref_slice %arg7[%dma_wait3A_362, %dma_wait3A_367] : memref<250x80xi32, #tpu.memory_space<vmem>> -> memref<1x80xi32, #tpu.memory_space<vmem>>
      %dma_wait3A_369 = tpu.memref_squeeze %dma_wait3A_368 : memref<1x80xi32, #tpu.memory_space<vmem>> -> memref<80xi32, #tpu.memory_space<vmem>>
      %dma_wait3A_370 = arith.constant 0 : i32
      %dma_wait3A_371 = arith.constant 0 : i32
      %dma_wait3A_372 = tpu.memref_slice %arg12[%dma_wait3A_370, %dma_wait3A_371] : memref<10240x64xf32, #tpu.memory_space<vmem_shared>> -> memref<10240x64xf32, #tpu.memory_space<vmem_shared>>
      tpu.wait_indirect_dma semaphore(%arg19 : memref<!tpu.dma_semaphore, #tpu.memory_space<semaphore_mem>>) src(%dma_wait3A_366 : memref<80x64xf32, #tpu.memory_space<vmem>>) dst(%dma_wait3A_372 : memref<10240x64xf32, #tpu.memory_space<vmem_shared>>)
      %jit3A_373 = arith.constant 2 : i32
      %eq3A_374 = arith.constant 0 : i32
      %eq3A_375 = arith.cmpi eq, %jit3A_373, %eq3A_374 : i32
      %jit3A_376 = arith.constant 1 : i32
      %select_n3A_377 = arith.select %eq3A_375, %jit3A_376, %jit3A_373 : i32
      %rem3A_378 = arith.remsi %add3A_360, %select_n3A_377 : i32
      %ne3A_379 = arith.constant 0 : i32
      %ne3A_380 = arith.cmpi ne, %rem3A_378, %ne3A_379 : i32
      %lt3A_381 = arith.constant 0 : i32
      %lt3A_382 = arith.cmpi slt, %rem3A_378, %lt3A_381 : i32
      %lt3A_383 = arith.constant 0 : i32
      %lt3A_384 = arith.cmpi slt, %select_n3A_377, %lt3A_383 : i32
      %ne3A_385 = arith.xori %lt3A_382, %lt3A_384 : i1
      %and3A_386 = arith.andi %ne3A_385, %ne3A_380 : i1
      %add3A_387 = arith.addi %rem3A_378, %select_n3A_377 : i32
      %select_n3A_388 = arith.select %and3A_386, %add3A_387, %rem3A_378 : i32
      %eq3A_389 = arith.cmpi eq, %arg0, %select_n3A_388 : i32
      %convert_element_type3A_390 = arith.extui %eq3A_389 : i1 to i32
      %cond3A_391 = arith.constant 0 : i32
      %cond3A_392 = arith.cmpi ne, %convert_element_type3A_390, %cond3A_391 : i32
      scf.if %cond3A_392 {
        %dma_wait3A_555 = arith.constant 0 : i32
        %dma_wait3A_556 = arith.constant 0 : i32
        %dma_wait3A_557 = tpu.memref_slice %arg7[%dma_wait3A_555, %dma_wait3A_556] : memref<250x80xi32, #tpu.memory_space<vmem>> -> memref<1x80xi32, #tpu.memory_space<vmem>>
        %dma_wait3A_558 = tpu.memref_squeeze %dma_wait3A_557 : memref<1x80xi32, #tpu.memory_space<vmem>> -> memref<80xi32, #tpu.memory_space<vmem>>
        %dma_wait3A_559 = arith.constant 0 : i32
        %dma_wait3A_560 = arith.constant 0 : i32
        %dma_wait3A_561 = tpu.memref_slice %arg13[%dma_wait3A_559, %dma_wait3A_560] : memref<10240x16xf32, #tpu.memory_space<vmem_shared>> -> memref<10240x16xf32, #tpu.memory_space<vmem_shared>>
        tpu.wait_indirect_dma semaphore(%arg19 : memref<!tpu.dma_semaphore, #tpu.memory_space<semaphore_mem>>) src(%arg8 : memref<80x16xf32, #tpu.memory_space<vmem>>) dst(%dma_wait3A_561 : memref<10240x16xf32, #tpu.memory_space<vmem_shared>>)
      } else {
      }
      %lt3A_393 = arith.constant 49 : i32
      %lt3A_394 = arith.cmpi slt, %scan3A_144, %lt3A_393 : i32
      %convert_element_type3A_395 = arith.extui %lt3A_394 : i1 to i32
      %cond3A_396 = arith.constant 0 : i32
      %cond3A_397 = arith.cmpi ne, %convert_element_type3A_395, %cond3A_396 : i32
      scf.if %cond3A_397 {
        %add3A_555 = arith.constant 5 : i32
        %add3A_556 = arith.addi %mul3A_147, %add3A_555 : i32
        %add3A_557 = arith.constant 0 : i32
        %add3A_558 = arith.addi %add3A_556, %add3A_557 : i32
        %mul3A_559 = arith.constant 80 : i32
        %mul3A_560 = arith.muli %add3A_558, %mul3A_559 : i32
        %add3A_561 = arith.addi %mul3A_0, %mul3A_560 : i32
        %dma_start3A_562 = arith.constant 0 : i32
        %dma_start3A_563 = arith.constant 0 : i32
        %dma_start3A_564 = arith.constant 0 : i32
        %dma_start3A_565 = tpu.memref_slice %arg6[%dma_start3A_562, %dma_start3A_563, %dma_start3A_564] : memref<5x80x64xf32, #tpu.memory_space<vmem>> -> memref<1x80x64xf32, #tpu.memory_space<vmem>>
        %dma_start3A_566 = tpu.memref_squeeze %dma_start3A_565 : memref<1x80x64xf32, #tpu.memory_space<vmem>> -> memref<80x64xf32, #tpu.memory_space<vmem>>
        %dma_start3A_567 = tpu.memref_slice %arg2[%add3A_561, %mul3A_2] : memref<320000x128xf32, #tpu.memory_space<hbm>> -> memref<80x64xf32, #tpu.memory_space<hbm>>
        %dma_start3A_568 = arith.constant 0 : i32
        %dma_start3A_569 = arith.constant 0 : i32
        %dma_start3A_570 = tpu.memref_slice %arg6[%dma_start3A_562, %dma_start3A_568, %dma_start3A_569] : memref<5x80x64xf32, #tpu.memory_space<vmem>> -> memref<1x80x64xf32, #tpu.memory_space<vmem>>
        %dma_start3A_571 = tpu.memref_squeeze %dma_start3A_570 : memref<1x80x64xf32, #tpu.memory_space<vmem>> -> memref<80x64xf32, #tpu.memory_space<vmem>>
        %dma_start3A_572 = tpu.memref_slice %arg2[%add3A_561, %mul3A_2] : memref<320000x128xf32, #tpu.memory_space<hbm>> -> memref<80x64xf32, #tpu.memory_space<hbm>>
        tpu.enqueue_dma source(%dma_start3A_572 : memref<80x64xf32, #tpu.memory_space<hbm>>) target(%dma_start3A_571 : memref<80x64xf32, #tpu.memory_space<vmem>>) target_semaphore(%arg14 : memref<!tpu.dma_semaphore, #tpu.memory_space<semaphore_mem>>)
      } else {
      }
      %add3A_398 = arith.constant 1 : i32
      %add3A_399 = arith.addi %mul3A_147, %add3A_398 : i32
      %dma_wait3A_400 = arith.constant 1 : i32
      %dma_wait3A_401 = arith.constant 0 : i32
      %dma_wait3A_402 = arith.constant 0 : i32
      %dma_wait3A_403 = arith.constant 0 : i32
      %dma_wait3A_404 = tpu.memref_slice %arg6[%dma_wait3A_400, %dma_wait3A_402, %dma_wait3A_403] : memref<5x80x64xf32, #tpu.memory_space<vmem>> -> memref<1x80x64xf32, #tpu.memory_space<vmem>>
      %dma_wait3A_405 = tpu.memref_squeeze %dma_wait3A_404 : memref<1x80x64xf32, #tpu.memory_space<vmem>> -> memref<80x64xf32, #tpu.memory_space<vmem>>
      %dma_wait3A_406 = arith.constant 0 : i32
      %dma_wait3A_407 = tpu.memref_slice %arg7[%dma_wait3A_401, %dma_wait3A_406] : memref<250x80xi32, #tpu.memory_space<vmem>> -> memref<1x80xi32, #tpu.memory_space<vmem>>
      %dma_wait3A_408 = tpu.memref_squeeze %dma_wait3A_407 : memref<1x80xi32, #tpu.memory_space<vmem>> -> memref<80xi32, #tpu.memory_space<vmem>>
      %dma_wait3A_409 = arith.constant 0 : i32
      %dma_wait3A_410 = arith.constant 0 : i32
      %dma_wait3A_411 = tpu.memref_slice %arg12[%dma_wait3A_409, %dma_wait3A_410] : memref<10240x64xf32, #tpu.memory_space<vmem_shared>> -> memref<10240x64xf32, #tpu.memory_space<vmem_shared>>
      tpu.wait_indirect_dma semaphore(%arg20 : memref<!tpu.dma_semaphore, #tpu.memory_space<semaphore_mem>>) src(%dma_wait3A_405 : memref<80x64xf32, #tpu.memory_space<vmem>>) dst(%dma_wait3A_411 : memref<10240x64xf32, #tpu.memory_space<vmem_shared>>)
      %jit3A_412 = arith.constant 2 : i32
      %eq3A_413 = arith.constant 0 : i32
      %eq3A_414 = arith.cmpi eq, %jit3A_412, %eq3A_413 : i32
      %jit3A_415 = arith.constant 1 : i32
      %select_n3A_416 = arith.select %eq3A_414, %jit3A_415, %jit3A_412 : i32
      %rem3A_417 = arith.remsi %add3A_399, %select_n3A_416 : i32
      %ne3A_418 = arith.constant 0 : i32
      %ne3A_419 = arith.cmpi ne, %rem3A_417, %ne3A_418 : i32
      %lt3A_420 = arith.constant 0 : i32
      %lt3A_421 = arith.cmpi slt, %rem3A_417, %lt3A_420 : i32
      %lt3A_422 = arith.constant 0 : i32
      %lt3A_423 = arith.cmpi slt, %select_n3A_416, %lt3A_422 : i32
      %ne3A_424 = arith.xori %lt3A_421, %lt3A_423 : i1
      %and3A_425 = arith.andi %ne3A_424, %ne3A_419 : i1
      %add3A_426 = arith.addi %rem3A_417, %select_n3A_416 : i32
      %select_n3A_427 = arith.select %and3A_425, %add3A_426, %rem3A_417 : i32
      %eq3A_428 = arith.cmpi eq, %arg0, %select_n3A_427 : i32
      %convert_element_type3A_429 = arith.extui %eq3A_428 : i1 to i32
      %cond3A_430 = arith.constant 0 : i32
      %cond3A_431 = arith.cmpi ne, %convert_element_type3A_429, %cond3A_430 : i32
      scf.if %cond3A_431 {
        %dma_wait3A_555 = arith.constant 0 : i32
        %dma_wait3A_556 = arith.constant 0 : i32
        %dma_wait3A_557 = tpu.memref_slice %arg7[%dma_wait3A_555, %dma_wait3A_556] : memref<250x80xi32, #tpu.memory_space<vmem>> -> memref<1x80xi32, #tpu.memory_space<vmem>>
        %dma_wait3A_558 = tpu.memref_squeeze %dma_wait3A_557 : memref<1x80xi32, #tpu.memory_space<vmem>> -> memref<80xi32, #tpu.memory_space<vmem>>
        %dma_wait3A_559 = arith.constant 0 : i32
        %dma_wait3A_560 = arith.constant 0 : i32
        %dma_wait3A_561 = tpu.memref_slice %arg13[%dma_wait3A_559, %dma_wait3A_560] : memref<10240x16xf32, #tpu.memory_space<vmem_shared>> -> memref<10240x16xf32, #tpu.memory_space<vmem_shared>>
        tpu.wait_indirect_dma semaphore(%arg20 : memref<!tpu.dma_semaphore, #tpu.memory_space<semaphore_mem>>) src(%arg8 : memref<80x16xf32, #tpu.memory_space<vmem>>) dst(%dma_wait3A_561 : memref<10240x16xf32, #tpu.memory_space<vmem_shared>>)
      } else {
      }
      %lt3A_432 = arith.constant 49 : i32
      %lt3A_433 = arith.cmpi slt, %scan3A_144, %lt3A_432 : i32
      %convert_element_type3A_434 = arith.extui %lt3A_433 : i1 to i32
      %cond3A_435 = arith.constant 0 : i32
      %cond3A_436 = arith.cmpi ne, %convert_element_type3A_434, %cond3A_435 : i32
      scf.if %cond3A_436 {
        %add3A_555 = arith.constant 5 : i32
        %add3A_556 = arith.addi %mul3A_147, %add3A_555 : i32
        %add3A_557 = arith.constant 1 : i32
        %add3A_558 = arith.addi %add3A_556, %add3A_557 : i32
        %mul3A_559 = arith.constant 80 : i32
        %mul3A_560 = arith.muli %add3A_558, %mul3A_559 : i32
        %add3A_561 = arith.addi %mul3A_0, %mul3A_560 : i32
        %dma_start3A_562 = arith.constant 1 : i32
        %dma_start3A_563 = arith.constant 0 : i32
        %dma_start3A_564 = arith.constant 0 : i32
        %dma_start3A_565 = tpu.memref_slice %arg6[%dma_start3A_562, %dma_start3A_563, %dma_start3A_564] : memref<5x80x64xf32, #tpu.memory_space<vmem>> -> memref<1x80x64xf32, #tpu.memory_space<vmem>>
        %dma_start3A_566 = tpu.memref_squeeze %dma_start3A_565 : memref<1x80x64xf32, #tpu.memory_space<vmem>> -> memref<80x64xf32, #tpu.memory_space<vmem>>
        %dma_start3A_567 = tpu.memref_slice %arg2[%add3A_561, %mul3A_2] : memref<320000x128xf32, #tpu.memory_space<hbm>> -> memref<80x64xf32, #tpu.memory_space<hbm>>
        %dma_start3A_568 = arith.constant 0 : i32
        %dma_start3A_569 = arith.constant 0 : i32
        %dma_start3A_570 = tpu.memref_slice %arg6[%dma_start3A_562, %dma_start3A_568, %dma_start3A_569] : memref<5x80x64xf32, #tpu.memory_space<vmem>> -> memref<1x80x64xf32, #tpu.memory_space<vmem>>
        %dma_start3A_571 = tpu.memref_squeeze %dma_start3A_570 : memref<1x80x64xf32, #tpu.memory_space<vmem>> -> memref<80x64xf32, #tpu.memory_space<vmem>>
        %dma_start3A_572 = tpu.memref_slice %arg2[%add3A_561, %mul3A_2] : memref<320000x128xf32, #tpu.memory_space<hbm>> -> memref<80x64xf32, #tpu.memory_space<hbm>>
        tpu.enqueue_dma source(%dma_start3A_572 : memref<80x64xf32, #tpu.memory_space<hbm>>) target(%dma_start3A_571 : memref<80x64xf32, #tpu.memory_space<vmem>>) target_semaphore(%arg15 : memref<!tpu.dma_semaphore, #tpu.memory_space<semaphore_mem>>)
      } else {
      }
      %add3A_437 = arith.constant 2 : i32
      %add3A_438 = arith.addi %mul3A_147, %add3A_437 : i32
      %dma_wait3A_439 = arith.constant 2 : i32
      %dma_wait3A_440 = arith.constant 0 : i32
      %dma_wait3A_441 = arith.constant 0 : i32
      %dma_wait3A_442 = arith.constant 0 : i32
      %dma_wait3A_443 = tpu.memref_slice %arg6[%dma_wait3A_439, %dma_wait3A_441, %dma_wait3A_442] : memref<5x80x64xf32, #tpu.memory_space<vmem>> -> memref<1x80x64xf32, #tpu.memory_space<vmem>>
      %dma_wait3A_444 = tpu.memref_squeeze %dma_wait3A_443 : memref<1x80x64xf32, #tpu.memory_space<vmem>> -> memref<80x64xf32, #tpu.memory_space<vmem>>
      %dma_wait3A_445 = arith.constant 0 : i32
      %dma_wait3A_446 = tpu.memref_slice %arg7[%dma_wait3A_440, %dma_wait3A_445] : memref<250x80xi32, #tpu.memory_space<vmem>> -> memref<1x80xi32, #tpu.memory_space<vmem>>
      %dma_wait3A_447 = tpu.memref_squeeze %dma_wait3A_446 : memref<1x80xi32, #tpu.memory_space<vmem>> -> memref<80xi32, #tpu.memory_space<vmem>>
      %dma_wait3A_448 = arith.constant 0 : i32
      %dma_wait3A_449 = arith.constant 0 : i32
      %dma_wait3A_450 = tpu.memref_slice %arg12[%dma_wait3A_448, %dma_wait3A_449] : memref<10240x64xf32, #tpu.memory_space<vmem_shared>> -> memref<10240x64xf32, #tpu.memory_space<vmem_shared>>
      tpu.wait_indirect_dma semaphore(%arg21 : memref<!tpu.dma_semaphore, #tpu.memory_space<semaphore_mem>>) src(%dma_wait3A_444 : memref<80x64xf32, #tpu.memory_space<vmem>>) dst(%dma_wait3A_450 : memref<10240x64xf32, #tpu.memory_space<vmem_shared>>)
      %jit3A_451 = arith.constant 2 : i32
      %eq3A_452 = arith.constant 0 : i32
      %eq3A_453 = arith.cmpi eq, %jit3A_451, %eq3A_452 : i32
      %jit3A_454 = arith.constant 1 : i32
      %select_n3A_455 = arith.select %eq3A_453, %jit3A_454, %jit3A_451 : i32
      %rem3A_456 = arith.remsi %add3A_438, %select_n3A_455 : i32
      %ne3A_457 = arith.constant 0 : i32
      %ne3A_458 = arith.cmpi ne, %rem3A_456, %ne3A_457 : i32
      %lt3A_459 = arith.constant 0 : i32
      %lt3A_460 = arith.cmpi slt, %rem3A_456, %lt3A_459 : i32
      %lt3A_461 = arith.constant 0 : i32
      %lt3A_462 = arith.cmpi slt, %select_n3A_455, %lt3A_461 : i32
      %ne3A_463 = arith.xori %lt3A_460, %lt3A_462 : i1
      %and3A_464 = arith.andi %ne3A_463, %ne3A_458 : i1
      %add3A_465 = arith.addi %rem3A_456, %select_n3A_455 : i32
      %select_n3A_466 = arith.select %and3A_464, %add3A_465, %rem3A_456 : i32
      %eq3A_467 = arith.cmpi eq, %arg0, %select_n3A_466 : i32
      %convert_element_type3A_468 = arith.extui %eq3A_467 : i1 to i32
      %cond3A_469 = arith.constant 0 : i32
      %cond3A_470 = arith.cmpi ne, %convert_element_type3A_468, %cond3A_469 : i32
      scf.if %cond3A_470 {
        %dma_wait3A_555 = arith.constant 0 : i32
        %dma_wait3A_556 = arith.constant 0 : i32
        %dma_wait3A_557 = tpu.memref_slice %arg7[%dma_wait3A_555, %dma_wait3A_556] : memref<250x80xi32, #tpu.memory_space<vmem>> -> memref<1x80xi32, #tpu.memory_space<vmem>>
        %dma_wait3A_558 = tpu.memref_squeeze %dma_wait3A_557 : memref<1x80xi32, #tpu.memory_space<vmem>> -> memref<80xi32, #tpu.memory_space<vmem>>
        %dma_wait3A_559 = arith.constant 0 : i32
        %dma_wait3A_560 = arith.constant 0 : i32
        %dma_wait3A_561 = tpu.memref_slice %arg13[%dma_wait3A_559, %dma_wait3A_560] : memref<10240x16xf32, #tpu.memory_space<vmem_shared>> -> memref<10240x16xf32, #tpu.memory_space<vmem_shared>>
        tpu.wait_indirect_dma semaphore(%arg21 : memref<!tpu.dma_semaphore, #tpu.memory_space<semaphore_mem>>) src(%arg8 : memref<80x16xf32, #tpu.memory_space<vmem>>) dst(%dma_wait3A_561 : memref<10240x16xf32, #tpu.memory_space<vmem_shared>>)
      } else {
      }
      %lt3A_471 = arith.constant 49 : i32
      %lt3A_472 = arith.cmpi slt, %scan3A_144, %lt3A_471 : i32
      %convert_element_type3A_473 = arith.extui %lt3A_472 : i1 to i32
      %cond3A_474 = arith.constant 0 : i32
      %cond3A_475 = arith.cmpi ne, %convert_element_type3A_473, %cond3A_474 : i32
      scf.if %cond3A_475 {
        %add3A_555 = arith.constant 5 : i32
        %add3A_556 = arith.addi %mul3A_147, %add3A_555 : i32
        %add3A_557 = arith.constant 2 : i32
        %add3A_558 = arith.addi %add3A_556, %add3A_557 : i32
        %mul3A_559 = arith.constant 80 : i32
        %mul3A_560 = arith.muli %add3A_558, %mul3A_559 : i32
        %add3A_561 = arith.addi %mul3A_0, %mul3A_560 : i32
        %dma_start3A_562 = arith.constant 2 : i32
        %dma_start3A_563 = arith.constant 0 : i32
        %dma_start3A_564 = arith.constant 0 : i32
        %dma_start3A_565 = tpu.memref_slice %arg6[%dma_start3A_562, %dma_start3A_563, %dma_start3A_564] : memref<5x80x64xf32, #tpu.memory_space<vmem>> -> memref<1x80x64xf32, #tpu.memory_space<vmem>>
        %dma_start3A_566 = tpu.memref_squeeze %dma_start3A_565 : memref<1x80x64xf32, #tpu.memory_space<vmem>> -> memref<80x64xf32, #tpu.memory_space<vmem>>
        %dma_start3A_567 = tpu.memref_slice %arg2[%add3A_561, %mul3A_2] : memref<320000x128xf32, #tpu.memory_space<hbm>> -> memref<80x64xf32, #tpu.memory_space<hbm>>
        %dma_start3A_568 = arith.constant 0 : i32
        %dma_start3A_569 = arith.constant 0 : i32
        %dma_start3A_570 = tpu.memref_slice %arg6[%dma_start3A_562, %dma_start3A_568, %dma_start3A_569] : memref<5x80x64xf32, #tpu.memory_space<vmem>> -> memref<1x80x64xf32, #tpu.memory_space<vmem>>
        %dma_start3A_571 = tpu.memref_squeeze %dma_start3A_570 : memref<1x80x64xf32, #tpu.memory_space<vmem>> -> memref<80x64xf32, #tpu.memory_space<vmem>>
        %dma_start3A_572 = tpu.memref_slice %arg2[%add3A_561, %mul3A_2] : memref<320000x128xf32, #tpu.memory_space<hbm>> -> memref<80x64xf32, #tpu.memory_space<hbm>>
        tpu.enqueue_dma source(%dma_start3A_572 : memref<80x64xf32, #tpu.memory_space<hbm>>) target(%dma_start3A_571 : memref<80x64xf32, #tpu.memory_space<vmem>>) target_semaphore(%arg16 : memref<!tpu.dma_semaphore, #tpu.memory_space<semaphore_mem>>)
      } else {
      }
      %add3A_476 = arith.constant 3 : i32
      %add3A_477 = arith.addi %mul3A_147, %add3A_476 : i32
      %dma_wait3A_478 = arith.constant 3 : i32
      %dma_wait3A_479 = arith.constant 0 : i32
      %dma_wait3A_480 = arith.constant 0 : i32
      %dma_wait3A_481 = arith.constant 0 : i32
      %dma_wait3A_482 = tpu.memref_slice %arg6[%dma_wait3A_478, %dma_wait3A_480, %dma_wait3A_481] : memref<5x80x64xf32, #tpu.memory_space<vmem>> -> memref<1x80x64xf32, #tpu.memory_space<vmem>>
      %dma_wait3A_483 = tpu.memref_squeeze %dma_wait3A_482 : memref<1x80x64xf32, #tpu.memory_space<vmem>> -> memref<80x64xf32, #tpu.memory_space<vmem>>
      %dma_wait3A_484 = arith.constant 0 : i32
      %dma_wait3A_485 = tpu.memref_slice %arg7[%dma_wait3A_479, %dma_wait3A_484] : memref<250x80xi32, #tpu.memory_space<vmem>> -> memref<1x80xi32, #tpu.memory_space<vmem>>
      %dma_wait3A_486 = tpu.memref_squeeze %dma_wait3A_485 : memref<1x80xi32, #tpu.memory_space<vmem>> -> memref<80xi32, #tpu.memory_space<vmem>>
      %dma_wait3A_487 = arith.constant 0 : i32
      %dma_wait3A_488 = arith.constant 0 : i32
      %dma_wait3A_489 = tpu.memref_slice %arg12[%dma_wait3A_487, %dma_wait3A_488] : memref<10240x64xf32, #tpu.memory_space<vmem_shared>> -> memref<10240x64xf32, #tpu.memory_space<vmem_shared>>
      tpu.wait_indirect_dma semaphore(%arg22 : memref<!tpu.dma_semaphore, #tpu.memory_space<semaphore_mem>>) src(%dma_wait3A_483 : memref<80x64xf32, #tpu.memory_space<vmem>>) dst(%dma_wait3A_489 : memref<10240x64xf32, #tpu.memory_space<vmem_shared>>)
      %jit3A_490 = arith.constant 2 : i32
      %eq3A_491 = arith.constant 0 : i32
      %eq3A_492 = arith.cmpi eq, %jit3A_490, %eq3A_491 : i32
      %jit3A_493 = arith.constant 1 : i32
      %select_n3A_494 = arith.select %eq3A_492, %jit3A_493, %jit3A_490 : i32
      %rem3A_495 = arith.remsi %add3A_477, %select_n3A_494 : i32
      %ne3A_496 = arith.constant 0 : i32
      %ne3A_497 = arith.cmpi ne, %rem3A_495, %ne3A_496 : i32
      %lt3A_498 = arith.constant 0 : i32
      %lt3A_499 = arith.cmpi slt, %rem3A_495, %lt3A_498 : i32
      %lt3A_500 = arith.constant 0 : i32
      %lt3A_501 = arith.cmpi slt, %select_n3A_494, %lt3A_500 : i32
      %ne3A_502 = arith.xori %lt3A_499, %lt3A_501 : i1
      %and3A_503 = arith.andi %ne3A_502, %ne3A_497 : i1
      %add3A_504 = arith.addi %rem3A_495, %select_n3A_494 : i32
      %select_n3A_505 = arith.select %and3A_503, %add3A_504, %rem3A_495 : i32
      %eq3A_506 = arith.cmpi eq, %arg0, %select_n3A_505 : i32
      %convert_element_type3A_507 = arith.extui %eq3A_506 : i1 to i32
      %cond3A_508 = arith.constant 0 : i32
      %cond3A_509 = arith.cmpi ne, %convert_element_type3A_507, %cond3A_508 : i32
      scf.if %cond3A_509 {
        %dma_wait3A_555 = arith.constant 0 : i32
        %dma_wait3A_556 = arith.constant 0 : i32
        %dma_wait3A_557 = tpu.memref_slice %arg7[%dma_wait3A_555, %dma_wait3A_556] : memref<250x80xi32, #tpu.memory_space<vmem>> -> memref<1x80xi32, #tpu.memory_space<vmem>>
        %dma_wait3A_558 = tpu.memref_squeeze %dma_wait3A_557 : memref<1x80xi32, #tpu.memory_space<vmem>> -> memref<80xi32, #tpu.memory_space<vmem>>
        %dma_wait3A_559 = arith.constant 0 : i32
        %dma_wait3A_560 = arith.constant 0 : i32
        %dma_wait3A_561 = tpu.memref_slice %arg13[%dma_wait3A_559, %dma_wait3A_560] : memref<10240x16xf32, #tpu.memory_space<vmem_shared>> -> memref<10240x16xf32, #tpu.memory_space<vmem_shared>>
        tpu.wait_indirect_dma semaphore(%arg22 : memref<!tpu.dma_semaphore, #tpu.memory_space<semaphore_mem>>) src(%arg8 : memref<80x16xf32, #tpu.memory_space<vmem>>) dst(%dma_wait3A_561 : memref<10240x16xf32, #tpu.memory_space<vmem_shared>>)
      } else {
      }
      %lt3A_510 = arith.constant 49 : i32
      %lt3A_511 = arith.cmpi slt, %scan3A_144, %lt3A_510 : i32
      %convert_element_type3A_512 = arith.extui %lt3A_511 : i1 to i32
      %cond3A_513 = arith.constant 0 : i32
      %cond3A_514 = arith.cmpi ne, %convert_element_type3A_512, %cond3A_513 : i32
      scf.if %cond3A_514 {
        %add3A_555 = arith.constant 5 : i32
        %add3A_556 = arith.addi %mul3A_147, %add3A_555 : i32
        %add3A_557 = arith.constant 3 : i32
        %add3A_558 = arith.addi %add3A_556, %add3A_557 : i32
        %mul3A_559 = arith.constant 80 : i32
        %mul3A_560 = arith.muli %add3A_558, %mul3A_559 : i32
        %add3A_561 = arith.addi %mul3A_0, %mul3A_560 : i32
        %dma_start3A_562 = arith.constant 3 : i32
        %dma_start3A_563 = arith.constant 0 : i32
        %dma_start3A_564 = arith.constant 0 : i32
        %dma_start3A_565 = tpu.memref_slice %arg6[%dma_start3A_562, %dma_start3A_563, %dma_start3A_564] : memref<5x80x64xf32, #tpu.memory_space<vmem>> -> memref<1x80x64xf32, #tpu.memory_space<vmem>>
        %dma_start3A_566 = tpu.memref_squeeze %dma_start3A_565 : memref<1x80x64xf32, #tpu.memory_space<vmem>> -> memref<80x64xf32, #tpu.memory_space<vmem>>
        %dma_start3A_567 = tpu.memref_slice %arg2[%add3A_561, %mul3A_2] : memref<320000x128xf32, #tpu.memory_space<hbm>> -> memref<80x64xf32, #tpu.memory_space<hbm>>
        %dma_start3A_568 = arith.constant 0 : i32
        %dma_start3A_569 = arith.constant 0 : i32
        %dma_start3A_570 = tpu.memref_slice %arg6[%dma_start3A_562, %dma_start3A_568, %dma_start3A_569] : memref<5x80x64xf32, #tpu.memory_space<vmem>> -> memref<1x80x64xf32, #tpu.memory_space<vmem>>
        %dma_start3A_571 = tpu.memref_squeeze %dma_start3A_570 : memref<1x80x64xf32, #tpu.memory_space<vmem>> -> memref<80x64xf32, #tpu.memory_space<vmem>>
        %dma_start3A_572 = tpu.memref_slice %arg2[%add3A_561, %mul3A_2] : memref<320000x128xf32, #tpu.memory_space<hbm>> -> memref<80x64xf32, #tpu.memory_space<hbm>>
        tpu.enqueue_dma source(%dma_start3A_572 : memref<80x64xf32, #tpu.memory_space<hbm>>) target(%dma_start3A_571 : memref<80x64xf32, #tpu.memory_space<vmem>>) target_semaphore(%arg17 : memref<!tpu.dma_semaphore, #tpu.memory_space<semaphore_mem>>)
      } else {
      }
      %add3A_515 = arith.constant 4 : i32
      %add3A_516 = arith.addi %mul3A_147, %add3A_515 : i32
      %dma_wait3A_517 = arith.constant 4 : i32
      %dma_wait3A_518 = arith.constant 0 : i32
      %dma_wait3A_519 = arith.constant 0 : i32
      %dma_wait3A_520 = arith.constant 0 : i32
      %dma_wait3A_521 = tpu.memref_slice %arg6[%dma_wait3A_517, %dma_wait3A_519, %dma_wait3A_520] : memref<5x80x64xf32, #tpu.memory_space<vmem>> -> memref<1x80x64xf32, #tpu.memory_space<vmem>>
      %dma_wait3A_522 = tpu.memref_squeeze %dma_wait3A_521 : memref<1x80x64xf32, #tpu.memory_space<vmem>> -> memref<80x64xf32, #tpu.memory_space<vmem>>
      %dma_wait3A_523 = arith.constant 0 : i32
      %dma_wait3A_524 = tpu.memref_slice %arg7[%dma_wait3A_518, %dma_wait3A_523] : memref<250x80xi32, #tpu.memory_space<vmem>> -> memref<1x80xi32, #tpu.memory_space<vmem>>
      %dma_wait3A_525 = tpu.memref_squeeze %dma_wait3A_524 : memref<1x80xi32, #tpu.memory_space<vmem>> -> memref<80xi32, #tpu.memory_space<vmem>>
      %dma_wait3A_526 = arith.constant 0 : i32
      %dma_wait3A_527 = arith.constant 0 : i32
      %dma_wait3A_528 = tpu.memref_slice %arg12[%dma_wait3A_526, %dma_wait3A_527] : memref<10240x64xf32, #tpu.memory_space<vmem_shared>> -> memref<10240x64xf32, #tpu.memory_space<vmem_shared>>
      tpu.wait_indirect_dma semaphore(%arg23 : memref<!tpu.dma_semaphore, #tpu.memory_space<semaphore_mem>>) src(%dma_wait3A_522 : memref<80x64xf32, #tpu.memory_space<vmem>>) dst(%dma_wait3A_528 : memref<10240x64xf32, #tpu.memory_space<vmem_shared>>)
      %jit3A_529 = arith.constant 2 : i32
      %eq3A_530 = arith.constant 0 : i32
      %eq3A_531 = arith.cmpi eq, %jit3A_529, %eq3A_530 : i32
      %jit3A_532 = arith.constant 1 : i32
      %select_n3A_533 = arith.select %eq3A_531, %jit3A_532, %jit3A_529 : i32
      %rem3A_534 = arith.remsi %add3A_516, %select_n3A_533 : i32
      %ne3A_535 = arith.constant 0 : i32
      %ne3A_536 = arith.cmpi ne, %rem3A_534, %ne3A_535 : i32
      %lt3A_537 = arith.constant 0 : i32
      %lt3A_538 = arith.cmpi slt, %rem3A_534, %lt3A_537 : i32
      %lt3A_539 = arith.constant 0 : i32
      %lt3A_540 = arith.cmpi slt, %select_n3A_533, %lt3A_539 : i32
      %ne3A_541 = arith.xori %lt3A_538, %lt3A_540 : i1
      %and3A_542 = arith.andi %ne3A_541, %ne3A_536 : i1
      %add3A_543 = arith.addi %rem3A_534, %select_n3A_533 : i32
      %select_n3A_544 = arith.select %and3A_542, %add3A_543, %rem3A_534 : i32
      %eq3A_545 = arith.cmpi eq, %arg0, %select_n3A_544 : i32
      %convert_element_type3A_546 = arith.extui %eq3A_545 : i1 to i32
      %cond3A_547 = arith.constant 0 : i32
      %cond3A_548 = arith.cmpi ne, %convert_element_type3A_546, %cond3A_547 : i32
      scf.if %cond3A_548 {
        %dma_wait3A_555 = arith.constant 0 : i32
        %dma_wait3A_556 = arith.constant 0 : i32
        %dma_wait3A_557 = tpu.memref_slice %arg7[%dma_wait3A_555, %dma_wait3A_556] : memref<250x80xi32, #tpu.memory_space<vmem>> -> memref<1x80xi32, #tpu.memory_space<vmem>>
        %dma_wait3A_558 = tpu.memref_squeeze %dma_wait3A_557 : memref<1x80xi32, #tpu.memory_space<vmem>> -> memref<80xi32, #tpu.memory_space<vmem>>
        %dma_wait3A_559 = arith.constant 0 : i32
        %dma_wait3A_560 = arith.constant 0 : i32
        %dma_wait3A_561 = tpu.memref_slice %arg13[%dma_wait3A_559, %dma_wait3A_560] : memref<10240x16xf32, #tpu.memory_space<vmem_shared>> -> memref<10240x16xf32, #tpu.memory_space<vmem_shared>>
        tpu.wait_indirect_dma semaphore(%arg23 : memref<!tpu.dma_semaphore, #tpu.memory_space<semaphore_mem>>) src(%arg8 : memref<80x16xf32, #tpu.memory_space<vmem>>) dst(%dma_wait3A_561 : memref<10240x16xf32, #tpu.memory_space<vmem_shared>>)
      } else {
      }
      %lt3A_549 = arith.constant 49 : i32
      %lt3A_550 = arith.cmpi slt, %scan3A_144, %lt3A_549 : i32
      %convert_element_type3A_551 = arith.extui %lt3A_550 : i1 to i32
      %cond3A_552 = arith.constant 0 : i32
      %cond3A_553 = arith.cmpi ne, %convert_element_type3A_551, %cond3A_552 : i32
      scf.if %cond3A_553 {
        %add3A_555 = arith.constant 5 : i32
        %add3A_556 = arith.addi %mul3A_147, %add3A_555 : i32
        %add3A_557 = arith.constant 4 : i32
        %add3A_558 = arith.addi %add3A_556, %add3A_557 : i32
        %mul3A_559 = arith.constant 80 : i32
        %mul3A_560 = arith.muli %add3A_558, %mul3A_559 : i32
        %add3A_561 = arith.addi %mul3A_0, %mul3A_560 : i32
        %dma_start3A_562 = arith.constant 4 : i32
        %dma_start3A_563 = arith.constant 0 : i32
        %dma_start3A_564 = arith.constant 0 : i32
        %dma_start3A_565 = tpu.memref_slice %arg6[%dma_start3A_562, %dma_start3A_563, %dma_start3A_564] : memref<5x80x64xf32, #tpu.memory_space<vmem>> -> memref<1x80x64xf32, #tpu.memory_space<vmem>>
        %dma_start3A_566 = tpu.memref_squeeze %dma_start3A_565 : memref<1x80x64xf32, #tpu.memory_space<vmem>> -> memref<80x64xf32, #tpu.memory_space<vmem>>
        %dma_start3A_567 = tpu.memref_slice %arg2[%add3A_561, %mul3A_2] : memref<320000x128xf32, #tpu.memory_space<hbm>> -> memref<80x64xf32, #tpu.memory_space<hbm>>
        %dma_start3A_568 = arith.constant 0 : i32
        %dma_start3A_569 = arith.constant 0 : i32
        %dma_start3A_570 = tpu.memref_slice %arg6[%dma_start3A_562, %dma_start3A_568, %dma_start3A_569] : memref<5x80x64xf32, #tpu.memory_space<vmem>> -> memref<1x80x64xf32, #tpu.memory_space<vmem>>
        %dma_start3A_571 = tpu.memref_squeeze %dma_start3A_570 : memref<1x80x64xf32, #tpu.memory_space<vmem>> -> memref<80x64xf32, #tpu.memory_space<vmem>>
        %dma_start3A_572 = tpu.memref_slice %arg2[%add3A_561, %mul3A_2] : memref<320000x128xf32, #tpu.memory_space<hbm>> -> memref<80x64xf32, #tpu.memory_space<hbm>>
        tpu.enqueue_dma source(%dma_start3A_572 : memref<80x64xf32, #tpu.memory_space<hbm>>) target(%dma_start3A_571 : memref<80x64xf32, #tpu.memory_space<vmem>>) target_semaphore(%arg18 : memref<!tpu.dma_semaphore, #tpu.memory_space<semaphore_mem>>)
      } else {
      }
      %scan3A_554 = arith.constant 0 : i32
      scf.yield %scan3A_554 : i32
    }
    %scan3A_119 = arith.constant 50 : i32
    %barrier3A_120 = arith.constant 0 : index
    tpu.barrier barrier_id(%barrier3A_120)
    %scan3A_121 = arith.constant 0 : i32
    %scan3A_122 = arith.constant 0 : i32
    %scan3A_123 = arith.constant 4 : i32
    %scan3A_124 = arith.addi %scan3A_122, %scan3A_123 : i32
    %scan3A_125 = arith.constant 1 : i32
    %scan3A_126 = scf.for %scan3A_144 = %scan3A_122 to %scan3A_124 step %scan3A_125 iter_args(%scan3A_145 = %scan3A_121) -> (i32)  : i32 {
      %mul3A_146 = arith.constant 640 : i32
      %mul3A_147 = arith.muli %arg1, %mul3A_146 : i32
      %mul3A_148 = arith.constant 160 : i32
      %mul3A_149 = arith.muli %scan3A_144, %mul3A_148 : i32
      %add3A_150 = arith.addi %mul3A_147, %mul3A_149 : i32
      "tpu.region"() ({
        %run_scoped3A = tpu.sem_alloc : memref<!tpu.dma_semaphore, #tpu.memory_space<semaphore_mem>>
        %dma_start3A_152 = arith.constant 0 : i32
        %dma_start3A_153 = tpu.memref_slice %arg12[%add3A_150, %dma_start3A_152] : memref<10240x64xf32, #tpu.memory_space<vmem_shared>> -> memref<160x64xf32, #tpu.memory_space<vmem_shared>>
        %dma_start3A_154 = arith.constant 0 : i32
        %dma_start3A_155 = tpu.memref_slice %arg12[%add3A_150, %dma_start3A_154] : memref<10240x64xf32, #tpu.memory_space<vmem_shared>> -> memref<160x64xf32, #tpu.memory_space<vmem_shared>>
        tpu.enqueue_dma source(%dma_start3A_155 : memref<160x64xf32, #tpu.memory_space<vmem_shared>>) target(%arg9 : memref<160x64xf32, #tpu.memory_space<vmem>>) target_semaphore(%run_scoped3A : memref<!tpu.dma_semaphore, #tpu.memory_space<semaphore_mem>>)
        %dma_wait3A_156 = arith.constant 0 : i32
        %dma_wait3A_157 = tpu.memref_slice %arg12[%add3A_150, %dma_wait3A_156] : memref<10240x64xf32, #tpu.memory_space<vmem_shared>> -> memref<160x64xf32, #tpu.memory_space<vmem_shared>>
        %dma_wait3A_158 = arith.constant 0 : i32
        %dma_wait3A_159 = tpu.memref_slice %arg12[%add3A_150, %dma_wait3A_158] : memref<10240x64xf32, #tpu.memory_space<vmem_shared>> -> memref<160x64xf32, #tpu.memory_space<vmem_shared>>
        tpu.wait_dma2 semaphore(%run_scoped3A : memref<!tpu.dma_semaphore, #tpu.memory_space<semaphore_mem>>) src(%dma_wait3A_159 : memref<160x64xf32, #tpu.memory_space<vmem_shared>>) dst(%arg9 : memref<160x64xf32, #tpu.memory_space<vmem>>)
        tpu.yield
      }) : () -> ()
      "tpu.region"() ({
        %run_scoped3A = tpu.sem_alloc : memref<!tpu.dma_semaphore, #tpu.memory_space<semaphore_mem>>
        %dma_start3A_152 = tpu.memref_slice %arg4[%add3A_150, %mul3A_2] : memref<10240x128xf32, #tpu.memory_space<hbm>> -> memref<160x64xf32, #tpu.memory_space<hbm>>
        %dma_start3A_153 = tpu.memref_slice %arg4[%add3A_150, %mul3A_2] : memref<10240x128xf32, #tpu.memory_space<hbm>> -> memref<160x64xf32, #tpu.memory_space<hbm>>
        tpu.enqueue_dma source(%arg9 : memref<160x64xf32, #tpu.memory_space<vmem>>) target(%dma_start3A_153 : memref<160x64xf32, #tpu.memory_space<hbm>>) target_semaphore(%run_scoped3A : memref<!tpu.dma_semaphore, #tpu.memory_space<semaphore_mem>>)
        %dma_wait3A_154 = tpu.memref_slice %arg4[%add3A_150, %mul3A_2] : memref<10240x128xf32, #tpu.memory_space<hbm>> -> memref<160x64xf32, #tpu.memory_space<hbm>>
        %dma_wait3A_155 = tpu.memref_slice %arg4[%add3A_150, %mul3A_2] : memref<10240x128xf32, #tpu.memory_space<hbm>> -> memref<160x64xf32, #tpu.memory_space<hbm>>
        tpu.wait_dma2 semaphore(%run_scoped3A : memref<!tpu.dma_semaphore, #tpu.memory_space<semaphore_mem>>) src(%arg9 : memref<160x64xf32, #tpu.memory_space<vmem>>) dst(%dma_wait3A_155 : memref<160x64xf32, #tpu.memory_space<hbm>>)
        tpu.yield
      }) : () -> ()
      %scan3A_151 = arith.constant 0 : i32
      scf.yield %scan3A_151 : i32
    }
    %scan3A_127 = arith.constant 4 : i32
    %mul3A_128 = arith.constant 640 : i32
    %mul3A_129 = arith.muli %arg1, %mul3A_128 : i32
    "tpu.region"() ({
      %run_scoped3A = tpu.sem_alloc : memref<!tpu.dma_semaphore, #tpu.memory_space<semaphore_mem>>
      %dma_start3A_144 = arith.constant 0 : i32
      %dma_start3A_145 = tpu.memref_slice %arg13[%mul3A_129, %dma_start3A_144] : memref<10240x16xf32, #tpu.memory_space<vmem_shared>> -> memref<640x16xf32, #tpu.memory_space<vmem_shared>>
      %dma_start3A_146 = arith.constant 0 : i32
      %dma_start3A_147 = tpu.memref_slice %arg13[%mul3A_129, %dma_start3A_146] : memref<10240x16xf32, #tpu.memory_space<vmem_shared>> -> memref<640x16xf32, #tpu.memory_space<vmem_shared>>
      tpu.enqueue_dma source(%dma_start3A_147 : memref<640x16xf32, #tpu.memory_space<vmem_shared>>) target(%arg10 : memref<640x16xf32, #tpu.memory_space<vmem>>) target_semaphore(%run_scoped3A : memref<!tpu.dma_semaphore, #tpu.memory_space<semaphore_mem>>)
      %dma_wait3A_148 = arith.constant 0 : i32
      %dma_wait3A_149 = tpu.memref_slice %arg13[%mul3A_129, %dma_wait3A_148] : memref<10240x16xf32, #tpu.memory_space<vmem_shared>> -> memref<640x16xf32, #tpu.memory_space<vmem_shared>>
      %dma_wait3A_150 = arith.constant 0 : i32
      %dma_wait3A_151 = tpu.memref_slice %arg13[%mul3A_129, %dma_wait3A_150] : memref<10240x16xf32, #tpu.memory_space<vmem_shared>> -> memref<640x16xf32, #tpu.memory_space<vmem_shared>>
      tpu.wait_dma2 semaphore(%run_scoped3A : memref<!tpu.dma_semaphore, #tpu.memory_space<semaphore_mem>>) src(%dma_wait3A_151 : memref<640x16xf32, #tpu.memory_space<vmem_shared>>) dst(%arg10 : memref<640x16xf32, #tpu.memory_space<vmem>>)
      tpu.yield
    }) : () -> ()
    %broadcast_in_dim3A_130 = arith.constant 0 : i32
    %broadcast_in_dim3A_131 = vector.broadcast %broadcast_in_dim3A_130 : i32 to vector<16xi32>
    %scan3A_132 = arith.constant 0 : i32
    %scan3A_133 = arith.constant 0 : i32
    %scan3A_134 = arith.constant 40 : i32
    %scan3A_135 = arith.addi %scan3A_133, %scan3A_134 : i32
    %scan3A_136 = arith.constant 1 : i32
    %scan3A_137 = scf.for %scan3A_144 = %scan3A_133 to %scan3A_135 step %scan3A_136 iter_args(%scan3A_145 = %scan3A_132) -> (i32)  : i32 {
      %mul3A_146 = arith.constant 16 : i32
      %mul3A_147 = arith.muli %scan3A_144, %mul3A_146 : i32
      %iota3A = tpu.iota {dimensions = array<i32: 0>} : vector<16xi32>
      %add3A_148 = vector.broadcast %mul3A_147 : i32 to vector<16xi32>
      %add3A_149 = arith.addi %add3A_148, %iota3A : vector<16xi32>
      %gather3A = tpu.vector_load_idx %arg10[%add3A_149, %broadcast_in_dim3A_131] : memref<640x16xf32, #tpu.memory_space<vmem>>[vector<16xi32>, vector<16xi32>], vector<16xf32>,
      %mul3A_150 = arith.constant 16 : i32
      %mul3A_151 = arith.muli %scan3A_144, %mul3A_150 : i32
      %swap3A = arith.index_cast %mul3A_151 : i32 to index
      %swap3A_152 = tpu.vector_load %arg11[%swap3A] {strides = array<i32>} : memref<640xf32, #tpu.memory_space<vmem>>, vector<16xf32>,
      tpu.vector_store %arg11[%swap3A], %gather3A {strides = array<i32>} : memref<640xf32, #tpu.memory_space<vmem>>, vector<16xf32>,
      %scan3A_153 = arith.constant 0 : i32
      scf.yield %scan3A_153 : i32
    }
    %scan3A_138 = arith.constant 40 : i32
    %mul3A_139 = arith.constant 10240 : i32
    %mul3A_140 = arith.muli %arg0, %mul3A_139 : i32
    %mul3A_141 = arith.constant 640 : i32
    %mul3A_142 = arith.muli %arg1, %mul3A_141 : i32
    %add3A_143 = arith.addi %mul3A_140, %mul3A_142 : i32
    "tpu.region"() ({
      %run_scoped3A = tpu.sem_alloc : memref<!tpu.dma_semaphore, #tpu.memory_space<semaphore_mem>>
      %dma_start3A_144 = tpu.memref_slice %arg5[%add3A_143] : memref<20480xf32, #tpu.memory_space<hbm>> -> memref<640xf32, #tpu.memory_space<hbm>>
      %dma_start3A_145 = tpu.memref_slice %arg5[%add3A_143] : memref<20480xf32, #tpu.memory_space<hbm>> -> memref<640xf32, #tpu.memory_space<hbm>>
      tpu.enqueue_dma source(%arg11 : memref<640xf32, #tpu.memory_space<vmem>>) target(%dma_start3A_145 : memref<640xf32, #tpu.memory_space<hbm>>) target_semaphore(%run_scoped3A : memref<!tpu.dma_semaphore, #tpu.memory_space<semaphore_mem>>)
      %dma_wait3A_146 = tpu.memref_slice %arg5[%add3A_143] : memref<20480xf32, #tpu.memory_space<hbm>> -> memref<640xf32, #tpu.memory_space<hbm>>
      %dma_wait3A_147 = tpu.memref_slice %arg5[%add3A_143] : memref<20480xf32, #tpu.memory_space<hbm>> -> memref<640xf32, #tpu.memory_space<hbm>>
      tpu.wait_dma2 semaphore(%run_scoped3A : memref<!tpu.dma_semaphore, #tpu.memory_space<semaphore_mem>>) src(%arg11 : memref<640xf32, #tpu.memory_space<vmem>>) dst(%dma_wait3A_147 : memref<640xf32, #tpu.memory_space<hbm>>)
      tpu.yield
    }) : () -> ()
    return
  }
}

module attributes {stable_mosaic.version = 14 : i64} {
  func.func @body(%arg0: i32, %arg1: memref<1000x128xf32, #tpu.memory_space<vmem>>, %arg2: memref<2x1000x1xf32, #tpu.memory_space<vmem>>, %arg3: memref<1000x128xf32, #tpu.memory_space<vmem>>, %arg4: memref<128x256xf32, #tpu.memory_space<vmem>>, %arg5: memref<1000x128xf32, #tpu.memory_space<vmem>>) attributes {dimension_semantics = [#tpu.dimension_semantics<arbitrary>], iteration_bounds = array<i64: 10>, scalar_prefetch = 0 : i64, scratch_operands = 0 : i64, tpu.core_type = #tpu.core_type<tc>, window_params = [{transform_indices = @transform_0, window_bounds = array<i64: 1000, 128>}, {transform_indices = @transform_1, window_bounds = array<i64: 2, 1000, 1>}, {transform_indices = @transform_2, window_bounds = array<i64: 1000, 128>}, {pipeline_mode = #tpu.pipeline_mode<synchronous>, transform_indices = @transform_3, window_bounds = array<i64: 128, 256>}, {transform_indices = @transform_4, window_bounds = array<i64: 1000, 128>}]} {
    %get3A = arith.constant 0 : index
    %get3A_0 = arith.constant 0 : index
    %get3A_1 = arith.constant 0 : index
    %get3A_2 = vector.load %arg2[%get3A, %get3A_0, %get3A_1] : memref<2x1000x1xf32, #tpu.memory_space<vmem>>, vector<1x1000x1xf32>
    %get3A_3 = vector.shape_cast %get3A_2 : vector<1x1000x1xf32> to vector<1000x1xf32>
    %get3A_4 = arith.constant 1 : index
    %get3A_5 = arith.constant 0 : index
    %get3A_6 = arith.constant 0 : index
    %get3A_7 = vector.load %arg2[%get3A_4, %get3A_5, %get3A_6] : memref<2x1000x1xf32, #tpu.memory_space<vmem>>, vector<1x1000x1xf32>
    %get3A_8 = vector.shape_cast %get3A_7 : vector<1x1000x1xf32> to vector<1000x1xf32>
    %add3A = arith.addf %get3A_3, %get3A_8 : vector<1000x1xf32>
    %get3A_9 = arith.constant 0 : index
    %get3A_10 = arith.constant 0 : index
    %get3A_11 = vector.load %arg1[%get3A_9, %get3A_10] : memref<1000x128xf32, #tpu.memory_space<vmem>>, vector<1000x128xf32>
    %max3A = arith.constant 1.000000e+00 : f32
    %max3A_12 = vector.broadcast %max3A : f32 to vector<1000x1xf32>
    %max3A_13 = arith.maximumf %add3A, %max3A_12 : vector<1000x1xf32>
    %div3A = vector.broadcast %max3A_13 : vector<1000x1xf32> to vector<1000x128xf32>
    %div3A_14 = arith.divf %get3A_11, %div3A : vector<1000x128xf32>
    %get3A_15 = arith.constant 0 : index
    %get3A_16 = arith.constant 0 : index
    %get3A_17 = vector.load %arg4[%get3A_15, %get3A_16] : memref<128x256xf32, #tpu.memory_space<vmem>>, vector<128x128xf32>
    %dot_general3A = arith.constant dense<0.000000e+00> : vector<1000x128xf32>
    %dot_general3A_18 = tpu.matmul %div3A_14, %get3A_17, %dot_general3A {dimension_numbers = #tpu.dot_dimension_numbers<[1], [1], [0], [0], [0, 0, 1, 0], [], []>, transpose_lhs_hint = false} : vector<1000x128xf32>, vector<128x128xf32>, vector<1000x128xf32> -> vector<1000x128xf32>
    %get3A_19 = arith.constant 0 : index
    %get3A_20 = arith.constant 0 : index
    %get3A_21 = vector.load %arg3[%get3A_19, %get3A_20] : memref<1000x128xf32, #tpu.memory_space<vmem>>, vector<1000x128xf32>
    %get3A_22 = arith.constant 0 : index
    %get3A_23 = arith.constant 128 : index
    %get3A_24 = vector.load %arg4[%get3A_22, %get3A_23] : memref<128x256xf32, #tpu.memory_space<vmem>>, vector<128x128xf32>
    %dot_general3A_25 = arith.constant dense<0.000000e+00> : vector<1000x128xf32>
    %dot_general3A_26 = tpu.matmul %get3A_21, %get3A_24, %dot_general3A_25 {dimension_numbers = #tpu.dot_dimension_numbers<[1], [1], [0], [0], [0, 0, 1, 0], [], []>, transpose_lhs_hint = false} : vector<1000x128xf32>, vector<128x128xf32>, vector<1000x128xf32> -> vector<1000x128xf32>
    %add3A_27 = arith.addf %dot_general3A_18, %dot_general3A_26 : vector<1000x128xf32>
    %max3A_28 = arith.constant 0.000000e+00 : f32
    %max3A_29 = vector.broadcast %max3A_28 : f32 to vector<1000x128xf32>
    %max3A_30 = arith.maximumf %add3A_27, %max3A_29 : vector<1000x128xf32>
    %swap3A = arith.constant 0 : index
    %swap3A_31 = arith.constant 0 : index
    %swap3A_32 = vector.load %arg5[%swap3A, %swap3A_31] : memref<1000x128xf32, #tpu.memory_space<vmem>>, vector<1000x128xf32>
    tpu.vector_store %arg5[%swap3A, %swap3A_31], %max3A_30 {strides = array<i32>} : memref<1000x128xf32, #tpu.memory_space<vmem>>, vector<1000x128xf32>,
    return
  }
  func.func @transform_0(%arg0: i32) -> (i32, i32) {
    %c0_i32 = arith.constant 0 : i32
    %c0_i32_0 = arith.constant 0 : i32
    return %arg0, %c0_i32 : i32, i32
  }
  func.func @transform_1(%arg0: i32) -> (i32, i32, i32) {
    %c0_i32 = arith.constant 0 : i32
    %c0_i32_0 = arith.constant 0 : i32
    %c0_i32_1 = arith.constant 0 : i32
    return %c0_i32, %arg0, %c0_i32_0 : i32, i32, i32
  }
  func.func @transform_2(%arg0: i32) -> (i32, i32) {
    %c0_i32 = arith.constant 0 : i32
    %c0_i32_0 = arith.constant 0 : i32
    return %arg0, %c0_i32 : i32, i32
  }
  func.func @transform_3(%arg0: i32) -> (i32, i32) {
    %c0_i32 = arith.constant 0 : i32
    %c0_i32_0 = arith.constant 0 : i32
    %c0_i32_1 = arith.constant 0 : i32
    return %c0_i32, %c0_i32_0 : i32, i32
  }
  func.func @transform_4(%arg0: i32) -> (i32, i32) {
    %c0_i32 = arith.constant 0 : i32
    %c0_i32_0 = arith.constant 0 : i32
    return %arg0, %c0_i32 : i32, i32
  }
}

</mosaic_0001>

<sc_bundles>
// kernel: kernel.4.cloned.1.call-start
scs
__scs_entry_jumppad:
0x0: {  	(pc) =	sbr.rel $0x88, $3  }
0x1: {  	(tag) =	ssettag $0x0;
	lr =	simm.s32 $0x1  }
0x2: {  	[smem:$0x3F9D] =	sst lr;
	_ =	strace $0xD0000000  }
0x3: {  	_ = 	snop  }
0x4: {  	_ = 	snop  }
0x5: {  	_ = 	snop  }
0x6: {  	_ = 	snop  }
0x7: {  	_ = 	snop  }
__scs_overlays_trampoline_lowered:
0x8: {  	[smem:$0x3FAC] =	sst s0  }
0x9: {  	[smem:$0x3FAD] =	sst s1  }
0xa: {  	[smem:$0x3FAE] =	sst s2  }
0xb: {  	[smem:$0x3FAF] =	sst s3  }
0xc: {  	[smem:$0x3FB0] =	sst s4  }
0xd: {  	[smem:$0x3FB1] =	sst s5  }
0xe: {  	[smem:$0x3FB2] =	sst s6  }
0xf: {  	[smem:$0x3FB3] =	sst s7  }
0x10: {  	[smem:$0x3FB4] =	sst s8  }
0x11: {  	[smem:$0x3FB5] =	sst s9;
	s0 =	simm.s32 @!p0 $0x0  }
0x12: {  	s1 =	sld [smem:$0x3F9B];
	s0 =	simm.s32 @p0 $0x1  }
0x13: {  	[smem:$0x3FB6] =	sst s0;
	s0 =	simm.s32 @!p1 $0x0  }
0x14: {  	s2 =	sld [smem:$0x3F9A];
	s0 =	simm.s32 @p1 $0x1  }
0x15: {  	[smem:$0x3FB7] =	sst s0;
	s0 =	simm.s32 @!p2 $0x0  }
0x16: {  	s3 =	sld [smem:$0x3FDB];
	s0 =	simm.s32 @p2 $0x1  }
0x17: {  	s4 =	simm.s32 $0x1BF5;
	[smem:$0x3FB9] =	sst s0  }
0x18: {  	s0 =	sld [smem:$0x3F9C];
	_ =	swait.ge [sflag:s4], $0x0  }
0x19: {  	s7 =	sld [smem:$0x3F9D]  }
0x1a: {  	s8 =	sadd.s32 $0xFFFFE003, lr  }
0x1b: {  	s9 =	sadd.s32 $0xFFFFFEF7, lr;
	s5 =	simm.s32 $0xFFFFFFFF;
	p2 =	slt.u32 s8, $0xFFFFF086  }
0x1c: {  	p1 =	slt.u32 s9, $0xF7A;
	s5 =	simm.s32 @!p2 $0x0  }
0x1d: {  	s5 =	simm.s32 @p1 $0x1;
	p0 =	seq.s32 s7, s2  }
0x1e: {  	s7 =	smul.u32 @!p0 $0xF7A, s2;
	p2 =	seq.s32 @!p0 s5, $0x0  }
0x1f: {  	s9 =	smul.u32 $0xF7A, s1;
	s8 =	simm.s32 @!p0 $0x1BF5;
	p2 =	por !p2, p0  }
0x20: {  	[sflag:s8] =	ssyncset.s32 @!p0 $0xFFFFF086;
	s6 =	sadd.s32 @!p0 s3, s7;
	s7 =	simm.s32 @!p0 $0x108  }
0x21: {  	s3 =	sadd.s32 s3, s9;
	s6 =	sadd.s32 @!p0 $0x88, s6;
	s7 =	simm.s32 @p2 $0x1082  }
0x22: {  	[simem:s7], [sflag:s8] =	dma.local @!p0 [hbm:s6], $0xF7A  }
0x23: {  	s9 =	sor.u32 $0xD0000000, s2;
	s6 =	simm.s32 $0x108;
	_ =	swait.ge @!p0 [sflag:s8], $0x0  }
0x24: {  	s3 =	sadd.s32 $0x88, s3;
	s6 =	simm.s32 @!p1 $0x1082;
	[sflag:s4] =	ssyncset.s32 $0xFFFFF086  }
0x25: {  	[simem:s6], [sflag:s4] =	dma.local [hbm:s3], $0xF7A  }
0x26: {  	[smem:$0x3F9D] =	sst s1;
	(tag) =	ssettag s2;
	_ =	strace s9  }
0x27: {  	s1 =	sld [smem:$0x3FAD]  }
0x28: {  	s2 =	sld [smem:$0x3FAE]  }
0x29: {  	s4 =	sld [smem:$0x3FB0]  }
0x2a: {  	p0 =	seq.s32 s5, $0x0;
	s5 =	sld [smem:$0x3FB1]  }
0x2b: {  	s6 =	sld [smem:$0x3FB2]  }
0x2c: {  	s7 =	sld [smem:$0x3FB3]  }
0x2d: {  	s3 =	simm.s32 $0x108;
	s8 =	sld [smem:$0x3FB4]  }
0x2e: {  	s3 =	simm.s32 @!p0 $0x1082;
	s9 =	sld [smem:$0x3FB5]  }
0x2f: {  	lr =	sadd.s32 s0, s3;
	s0 =	sld [smem:$0x3FAC]  }
0x30: {  	s3 =	sld [smem:$0x3FAF]  }
0x31: {  	[smem:$0x3FB8] =	sst s10  }
0x32: {  	s10 =	sld [smem:$0x3FB6];
	_ =	sdelay $0x3  }
0x33: {  	p0 =	seq.s32 s10, $0x1;
	s10 =	sld [smem:$0x3FB8];
	_ =	sdelay $0x3  }
0x34: {  	[smem:$0x3FB8] =	sst s10  }
0x35: {  	s10 =	sld [smem:$0x3FB7];
	_ =	sdelay $0x3  }
0x36: {  	p1 =	seq.s32 s10, $0x1;
	s10 =	sld [smem:$0x3FB8];
	_ =	sdelay $0x3  }
0x37: {  	[smem:$0x3FB8] =	sst s10  }
0x38: {  	s10 =	sld [smem:$0x3FB9]  }
0x39: {  	_ = 	snop;
	(pc) =	sbr.ind lr, $3  }
0x3a: {  	_ = 	snop  }
0x3b: {  	_ = 	snop  }
0x3c: {  	p2 =	seq.s32 s10, $0x1;
	s10 =	sld [smem:$0x3FB8]  }
0x3d: {  	_ =	shalt  }
0x3e: {  	_ =	shalt  }
0x3f: {  	_ =	shalt  }
0x40: {  	_ =	shalt  }
0x41: {  	_ =	shalt  }
0x42: {  	_ =	shalt  }
0x43: {  	_ =	shalt  }
0x44: {  	_ =	shalt  }
0x45: {  	_ =	shalt  }
0x46: {  	_ =	shalt  }
0x47: {  	_ =	shalt  }
0x48: {  	_ =	shalt  }
0x49: {  	_ =	shalt  }
0x4a: {  	_ =	shalt  }
0x4b: {  	_ =	shalt  }
0x4c: {  	_ =	shalt  }
0x4d: {  	_ =	shalt  }
0x4e: {  	_ =	shalt  }
0x4f: {  	_ =	shalt  }
0x50: {  	_ =	shalt  }
0x51: {  	_ =	shalt  }
0x52: {  	_ =	shalt  }
0x53: {  	_ =	shalt  }
0x54: {  	_ =	shalt  }
0x55: {  	_ =	shalt  }
0x56: {  	_ =	shalt  }
0x57: {  	_ =	shalt  }
0x58: {  	_ =	shalt  }
0x59: {  	_ =	shalt  }
0x5a: {  	_ =	shalt  }
0x5b: {  	_ =	shalt  }
0x5c: {  	_ =	shalt  }
0x5d: {  	_ =	shalt  }
0x5e: {  	_ =	shalt  }
0x5f: {  	_ =	shalt  }
0x60: {  	_ =	shalt  }
0x61: {  	_ =	shalt  }
0x62: {  	_ =	shalt  }
0x63: {  	_ =	shalt  }
0x64: {  	_ =	shalt  }
0x65: {  	_ =	shalt  }
0x66: {  	_ =	shalt  }
0x67: {  	_ =	shalt  }
0x68: {  	_ =	shalt  }
0x69: {  	_ =	shalt  }
0x6a: {  	_ =	shalt  }
0x6b: {  	_ =	shalt  }
0x6c: {  	_ =	shalt  }
0x6d: {  	_ =	shalt  }
0x6e: {  	_ =	shalt  }
0x6f: {  	_ =	shalt  }
0x70: {  	_ =	shalt  }
0x71: {  	_ =	shalt  }
0x72: {  	_ =	shalt  }
0x73: {  	_ =	shalt  }
0x74: {  	_ =	shalt  }
0x75: {  	_ =	shalt  }
0x76: {  	_ =	shalt  }
0x77: {  	_ =	shalt  }
0x78: {  	_ =	shalt  }
0x79: {  	_ =	shalt  }
0x7a: {  	_ =	shalt  }
0x7b: {  	_ =	shalt  }
0x7c: {  	_ =	shalt  }
0x7d: {  	_ =	shalt  }
0x7e: {  	_ =	shalt  }
0x7f: {  	_ =	shalt  }
0x80: {  	_ =	shalt  }
0x81: {  	_ =	shalt  }
0x82: {  	_ =	shalt  }
0x83: {  	_ =	shalt  }
0x84: {  	_ =	shalt  }
0x85: {  	_ =	shalt  }
0x86: {  	_ =	shalt  }
0x87: {  	_ =	shalt  }
.Lfunc_end0:
.L_simem_size_0:
called_computation_lowered:
.L_overlay_start_0:
0x88: {  	s2 =	sld [smem:$0x3FD9]  }
0x89: {  	s3 =	sld [smem:$0x3FFE];
	_ =	sdelay $0x1  }
0x8a: {  	s1 =	srdreg.scid  }
0x8b: {  	s0 =	sand.u32 $0x1, s1  }
0x8c: {  	s17 =	sshll.u32 s0, $0xA;
	s2 =	sadd.s32 s3, s2  }
0x8d: {  	s2 =	sadd.s32 s2, s17  }
0x8e: {  	[smem:$0x3FC4] =	sst s2  }
0x8f: {  	_ = 	snop  }
0x90: {  	s2 =	sld [smem:$0x3FC8]  }
0x91: {  	s18 =	sld [smem:$0x3FC7]  }
0x92: {  	s4 =	sld [smem:$0x3FD0];
	(tm) =	ssettm $0x1  }
0x93: {  	s5 =	sld [smem:$0x3FFB];
	_ =	sdelay $0x3  }
0x94: {  	_ =	strace s5  }
0x95: {  	s5 =	sld [smem:$0x3FFC];
	_ =	sdelay $0x3  }
0x96: {  	_ =	strace s5  }
0x97: {  	s5 =	sld [smem:$0x3FFD];
	_ =	sdelay $0x3  }
0x98: {  	_ =	strace s5  }
0x99: {  	_ =	strace $0x8FFFFFFF  }
0x9a: {  	s19 =	sld [smem:$0x3FDB];
	_ =	sdelay $0x1  }
0x9b: {  	s6 =	simm.s32 $_scs_section_size  }
0x9c: {  	s7 =	simm.s32 $_size__tile_overlayer_lowered;
	s8 =	simm.s32 $_tile_overlayer_lowered  }
0x9d: {  	s22 =	simm.s32 $0x1BFF;
	s21 =	sshll.u32 s8, $0x1;
	s5 =	sadd.s32 s6, s19  }
0x9e: {  	s9 =	simm.s32 $0x0;
	s20 =	sshll.u32 s7, $0x1;
	s7 =	sadd.s32 s21, s5  }
0x9f: {  	[timem:s9], [sflag:s22] =	dma.local [hbm:s7], s20  }
0xa0: {  	_ =	swait.ge [sflag:s22], s20  }
0xa1: {  	s6 =	ssub.s32 $0x0, s20;
	[sflag:s22] =	ssyncset.done $0x0  }
0xa2: {  	[sflag:s22] =	ssyncadd.s32 s6;
	_ =	sdelay $0x1  }
0xa3: {  	s23 =	simm.s32 $0x1B8B  }
0xa4: {  	_ =	swait.ge [sflag:s23], $0x1  }
0xa5: {  	[sflag:s23] =	ssyncset.done $0x0  }
0xa6: {  	s25 =	simm.s32 $0x1B8E;
	s24 =	sld [smem:$0x3FFE];
	[sflag:s23] =	ssyncadd.s32 $0xFFFFFFFF  }
0xa7: {  	s26 =	simm.s32 $execute0_lowered;
	[smem:$0x3FD2] =	sst s25  }
0xa8: {  	s7 =	sshll.u32 s26, $0x1;
	_ =	strace $0x80000046;
	[dreg:$0x1] =	wrdreg $0xFFFFFFFF  }
0xa9: {  	s28 =	simm.s32 $_size_execute0_lowered;
	s5 =	sadd.s32 s5, s7;
	[dreg:$0x0] =	wrdreg $0x0  }
0xaa: {  	s7 =	sshll.u32 s28, $0x1;
	[dreg:$0x2] =	wrdreg s5  }
0xab: {  	[dreg:$0x3] =	wrdreg s7  }
0xac: {  	[dreg:$0x4] =	wrdreg $0xC0  }
0xad: {  	_ =	task [dreg:s9], $0x5FFFF  }
0xae: {  	[dreg:$0x1] =	wrdreg $0xFFFFFFFF  }
0xaf: {  	[dreg:$0x0] =	wrdreg $0x60  }
0xb0: {  	[dreg:$0x2] =	wrdreg s2  }
0xb1: {  	[dreg:$0x3] =	wrdreg s18  }
0xb2: {  	[dreg:$0x4] =	wrdreg s24  }
0xb3: {  	[dreg:$0x5] =	wrdreg s4  }
0xb4: {  	[dreg:$0x6] =	wrdreg $0x109A00  }
0xb5: {  	[dreg:$0x7] =	wrdreg $0x1A9A00  }
0xb6: {  	[dreg:$0x8] =	wrdreg $0x9  }
0xb7: {  	_ =	task.clear_ibuf [dreg:s9], $0x9FFFF;
	_ =	strace $0x90000046  }
0xb8: {  	s29 =	simm.s32 $0x9;
	_ =	strace $0x80000048  }
0xb9: {  	_ =	swait.ge [sflag:s29], $0x1  }
0xba: {  	[sflag:s29] =	ssyncadd.s32 $0xFFFFFFFF  }
0xbb: {  	_ =	strace $0x90000048  }
0xbc: {  	_ =	sfence  }
0xbd: {  	s30 =	sld [smem:$0x0];
	_ =	sdelay $0x2  }
0xbe: {  	s31 =	sshll.u32 s1, $0xD;
	s1 =	sshrl.u32 s1, $0x2  }
0xbf: {  	s3 =	sand.u32 $0x4000, s31;
	s1 =	sadd.s32 s1, s30  }
0xc0: {  	s0 =	sor.u32 s3, s0;
	s1 =	sshll.u32 s1, $0x11  }
0xc1: {  	s0 =	sor.u32 s1, s0  }
0xc2: {  	s0 =	sadd.s32 $0x8F2B, s0  }
0xc3: {  	[sflag:s0] =	ssyncadd.remote.s32 $0x1  }
0xc4: {  	_ =	sfence.sel $0xFFFF  }
0xc5: {  	[dreg:$0x0] =	wrdreg $0xFFFFFFFF;
	(pc) =	sbr.abs _section_cstart, $3  }
0xc6: {  	[dreg:$0x1] =	wrdreg $0xFFFFFFFF  }
0xc7: {  	_ =	task.clear_ibuf [dreg:s9], $0x2FFFF;
	_ =	strace $0x9FFFFFFF  }
0xc8: {  	(tm) =	ssettm $0x7FFFFFFF  }
0xc9: {  	_ =	shalt  }
tec
execute0_lowered:
.L_overlay_start_1:
0x0: {  	(tag) =	ssettag $0x1  }
0x1: {  	s5 =	rddreg [dreg:$0x0]  }
0x2: {  	s1 =	rddreg [dreg:$0x1]  }
0x3: {  	s0 =	rddreg [dreg:$0x2]  }
0x4: {  	s3 =	rddreg [dreg:$0x3];
	s17 =	stileid.u32  }
0x5: {  	s2 =	rddreg [dreg:$0x4];
	s7 =	smul.u32 $0x271000, s17  }
0x6: {  	s4 =	rddreg [dreg:$0x5];
	s12 =	smul.u32 $0x4E20, s17  }
0x7: {  	s30 =	simm.s32 $0x0;
	s6 =	srdreg.scid;
	s24 =	smul.u32 $0x280, s17  }
0x8: {  	s29 =	simm.s32 $0x7;
	[smem:$0x7FF] =	sst s30;
	s15 =	smul.u32 $0xA000, s17  }
0x9: {  	s6 =	sand.u32 $0x1, s6;
	s10 =	sadd.s32 $0xE00, s0;
	s19 =	smul.u32 $0x14000, s17  }
0xa: {  	_ =	strace $0x80000047;
	s8 =	ssub.s32 $0x2, s6;
	s9 =	sshll.u32 s6, $0x6  }
0xb: {  	s14 =	smul.u32 $0x2800, s6;
	s11 =	sshrl.u32 s8, $0x1;
	s0 =	sor.u32 s9, s7  }
0xc: {  	s12 =	sshrl.u32 s12, $0x3;
	s7 =	ssub.s32 s8, s11;
	s20 =	sshrl.u32 s0, $0x3  }
0xd: {  	s21 =	sadd.s32 $0x2800, s0;
	s23 =	sadd.s32 $0x5000, s0;
	s13 =	sadd.s32 $0x7800, s0  }
0xe: {  	s26 =	sadd.s32 $0xA000, s0;
	s14 =	sadd.s32 s24, s14;
	s1 =	sadd.s32 s1, s12  }
0xf: {  	s11 =	sadd.s32 $0x1E0, s24;
	s12 =	sor.u32 s9, s19;
	s8 =	sadd.s32 s5, s20  }
0x10: {  	s22 =	sshrl.u32 s21, $0x3;
	s25 =	sshrl.u32 s13, $0x3;
	[dreg:$0xa] =	wrdreg s1  }
0x11: {  	s18 =	sshrl.u32 s14, $0x3;
	s20 =	sadd.s32 $0xA0, s24;
	s21 =	sadd.s32 $0x140, s24  }
0x12: {  	s24 =	sshrl.u32 s26, $0x3;
	s7 =	smax.u32 s7, $0x1;
	[dreg:$0x7] =	wrdreg s8  }
0x13: {  	s8 =	sadd.s32 s5, s22;
	s1 =	sadd.s32 s3, s18;
	s22 =	sshll.u32 s20, $0x7  }
0x14: {  	s16 =	sshll.u32 s21, $0x7;
	s18 =	sshll.u32 s11, $0x7;
	[dreg:$0xf] =	wrdreg s7  }
0x15: {  	s7 =	sshll.u32 s21, $0x6;
	s21 =	sadd.s32 $0x11800, s0;
	[dreg:$0x8] =	wrdreg s8  }
0x16: {  	s8 =	sshrl.u32 s23, $0x3;
	[dreg:$0xb] =	wrdreg s1;
	s14 =	sor.u32 s9, s22  }
0x17: {  	s16 =	sor.u32 s9, s16;
	s9 =	sor.u32 s9, s18;
	s23 =	smul.u32 $0x28000, s17  }
0x18: {  	s1 =	sshll.u32 s20, $0x6;
	s18 =	sadd.s32 $0x16800, s0;
	s31 =	sadd.s32 s7, s2  }
0x19: {  	s20 =	sadd.s32 $0x14000, s0;
	s22 =	sadd.s32 $0xF000, s0;
	s0 =	sadd.s32 $0xC800, s0  }
0x1a: {  	s8 =	sadd.s32 s5, s8;
	s13 =	sshrl.u32 s14, $0x3;
	[dreg:$0x18] =	wrdreg s0  }
0x1b: {  	s14 =	sshrl.u32 s16, $0x3;
	s28 =	sshrl.u32 s22, $0x3;
	[dreg:$0x16] =	wrdreg s31  }
0x1c: {  	[dreg:$0x9] =	wrdreg s8;
	s8 =	sadd.s32 s5, s25;
	s25 =	sshrl.u32 s15, $0x2  }
0x1d: {  	s5 =	sadd.s32 s5, s24;
	s26 =	sshrl.u32 s23, $0x2;
	s23 =	sadd.s32 s1, s2  }
0x1e: {  	s15 =	sshrl.u32 s9, $0x3;
	s24 =	sshrl.u32 s18, $0x3;
	[dreg:$0xc] =	wrdreg s8  }
0x1f: {  	s18 =	simm.s32 $0x2;
	[dreg:$0xd] =	wrdreg s5;
	s5 =	sadd.s32 s25, s4  }
0x20: {  	s17 =	sadd.s32 s26, s2;
	s8 =	sshrl.u32 s12, $0x3;
	s12 =	sshll.u32 s11, $0x6  }
0x21: {  	s16 =	sadd.s32 s10, s15;
	s25 =	sshrl.u32 s20, $0x3;
	s26 =	sshrl.u32 s21, $0x3  }
0x22: {  	s11 =	simm.s32 $0xDF20;
	s15 =	simm.s32 $0x50;
	[dreg:$0x11] =	wrdreg s23  }
0x23: {  	s20 =	simm.s32 $0x4;
	s21 =	simm.s32 $0x5;
	[dreg:$0x15] =	wrdreg s16  }
0x24: {  	s3 =	sadd.s32 s10, s8;
	s19 =	sadd.s32 s12, s2;
	[dreg:$0xe] =	wrdreg s5  }
0x25: {  	s8 =	simm.s32 $0x5000;
	s12 =	simm.s32 $0x8;
	[dreg:$0x10] =	wrdreg s17  }
0x26: {  	s16 =	simm.s32 $0xA;
	[dreg:$0x12] =	wrdreg s3;
	s3 =	sadd.s32 s10, s13  }
0x27: {  	[dreg:$0x17] =	wrdreg s19;
	s13 =	simm.s32 $0x1;
	s19 =	simm.s32 $0x3  }
0x28: {  	v2 =	vlaneseq.u32;
	[dreg:$0x13] =	wrdreg s3;
	s3 =	sadd.s32 s10, s14;
	s14 =	simm.s32 $0x9  }
0x29: {  	v0 =	vimm.f32 $1.000000000e+00;
	v1 =	vimm.f32 $0.0e+00;
	v2 =	vmul.u32 $0x10, v2;
	s10 =	simm.s32 $0x80;
	[dreg:$0x14] =	wrdreg s3;
	s3 =	simm.s32 $0x0  }
.LBB2_1:
0x2a: {  	[dreg:$0x19] =	wrdreg s3  }
0x2b: {  	s0 =	rddreg [dreg:$0x7];
	s1 =	simm.s32 $0x40;
	s3 =	simm.s32 $0x80  }
0x2c: {  	[tilespmem:s30], [sflag:$0x1] =	stream.strided.gather [hbm4b:s0+s1], $0x1400, s3, s1, $0x38;
	[tilespmem:$0x1D1A0] =	vst v63  }
0x2d: {  	s22 =	rddreg [dreg:$0x8];
	s7 =	simm.s32 $0x1400  }
0x2e: {  	[tilespmem:s7], [sflag:$0x2] =	stream.strided.gather [hbm4b:s22+s1], $0x1400, s3, s1, $0x38;
	[tilespmem:$0x1D1A0] =	vst v63  }
0x2f: {  	s9 =	rddreg [dreg:$0x9];
	s22 =	simm.s32 $0x2800  }
0x30: {  	[tilespmem:s22], [sflag:$0x3] =	stream.strided.gather [hbm4b:s9+s1], $0x1400, s3, s1, $0x38;
	[tilespmem:$0x1D1A0] =	vst v63  }
0x31: {  	s9 =	rddreg [dreg:$0xc];
	s22 =	simm.s32 $0x3C00  }
0x32: {  	[tilespmem:s22], [sflag:$0x4] =	stream.strided.gather [hbm4b:s9+s1], $0x1400, s3, s1, $0x38;
	[tilespmem:$0x1D1A0] =	vst v63  }
0x33: {  	s7 =	rddreg [dreg:$0xd]  }
0x34: {  	[tilespmem:s8], [sflag:$0x5] =	stream.strided.gather [hbm4b:s7+s1], $0x1400, s3, s1, $0x38;
	[tilespmem:$0x1D1A0] =	vst v63  }
0x35: {  	s9 =	rddreg [dreg:$0xa];
	s22 =	simm.s32 $0x6400  }
0x36: {  	[tilespmem:s22], [sflag:$0x6] =	stream.linear.gather [hbm4b:s9+s30], $0x4E20, $0x38;
	[tilespmem:$0x1D1A0] =	vst v63  }
0x37: {  	s1 =	simm.s32 $0x40;
	s9 =	simm.s32 $0x0  }
.LBB2_2:
0x38: {  	p0 =	sne.s32 s1, $0x13C0;
	[tilespmem:s9+$0xB220] =	vst v0;
	s9 =	smov.u32 s1;
	s1 =	sadd.s32 $0x40, s1  }
.Ltmp0:
0x39: {  	(pc) =	sbr.rel @p0 .LBB2_2-.Ltmp0, $2  }
0x3a: {  	_ =	sdelay $0x2  }
0x3b: {  	s9 =	sshra.s32 s9, $0x2  }
0x3c: {  	[tilespmem:s9+$0xB220] =	vst v0;
	s9 =	simm.s32 $0x100;
	s1 =	simm.s32 $0x0  }
.LBB2_4:
0x3d: {  	p0 =	sne.s32 s9, $0x9F00;
	[tilespmem:s1+$0xB750] =	vst v1;
	s22 =	smov.u32 s9;
	s9 =	sadd.s32 $0x100, s9  }
.Ltmp1:
0x3e: {  	[tilespmem:s1+$0xB740] =	vst v1;
	(pc) =	sbr.rel @p0 .LBB2_4-.Ltmp1, $3  }
0x3f: {  	[tilespmem:s1+$0xB720] =	vst v1  }
0x40: {  	[tilespmem:s1+$0xB730] =	vst v1;
	_ =	sdelay $0x1  }
0x41: {  	s1 =	sshra.s32 s22, $0x2  }
0x42: {  	[tilespmem:s1+$0xB750] =	vst v1  }
0x43: {  	[tilespmem:s1+$0xB740] =	vst v1  }
0x44: {  	[tilespmem:s1+$0xB720] =	vst v1  }
0x45: {  	[tilespmem:s1+$0xB730] =	vst v1;
	s1 =	simm.s32 $0x40;
	s9 =	simm.s32 $0x0  }
.LBB2_6:
0x46: {  	p0 =	sne.s32 s1, $0x9FC0;
	[tilespmem:s9+$0xDF20] =	vst v1;
	s9 =	smov.u32 s1;
	s1 =	sadd.s32 $0x40, s1  }
.Ltmp2:
0x47: {  	(pc) =	sbr.rel @p0 .LBB2_6-.Ltmp2, $2  }
0x48: {  	_ =	sdelay $0x2  }
0x49: {  	s9 =	sshra.s32 s9, $0x2  }
0x4a: {  	[tilespmem:s9+$0xDF20] =	vst v1;
	s1 =	simm.s32 $0xB720;
	s3 =	simm.s32 $0xB  }
0x4b: {  	[spmem:s17] =	stream.linear.scatter [tilespmem:s1], [sflag:$0xB], $0x2800, $0x38;
	[tilespmem:$0x1D1A0] =	vst v63  }
0x4c: {  	_ =	swait.ge [sflag:s3], $0x2800  }
0x4d: {  	[sflag:s3] =	ssyncset.done $0x0  }
0x4e: {  	[sflag:s3] =	ssyncadd.s32 $0xFFFFD800  }
0x4f: {  	[spmem:s23] =	stream.linear.scatter [tilespmem:s1], [sflag:$0xB], $0x2800, $0x38;
	[tilespmem:$0x1D1A0] =	vst v63  }
0x50: {  	_ =	swait.ge [sflag:s3], $0x2800  }
0x51: {  	[sflag:s3] =	ssyncset.done $0x0  }
0x52: {  	[sflag:s3] =	ssyncadd.s32 $0xFFFFD800  }
0x53: {  	[spmem:s31] =	stream.linear.scatter [tilespmem:s1], [sflag:$0xB], $0x2800, $0x38;
	[tilespmem:$0x1D1A0] =	vst v63  }
0x54: {  	_ =	swait.ge [sflag:s3], $0x2800  }
0x55: {  	[sflag:s3] =	ssyncset.done $0x0  }
0x56: {  	s0 =	rddreg [dreg:$0x17];
	[sflag:s3] =	ssyncadd.s32 $0xFFFFD800  }
0x57: {  	[spmem:s0] =	stream.linear.scatter [tilespmem:s1], [sflag:$0xB], $0x2800, $0x38;
	[tilespmem:$0x1D1A0] =	vst v63  }
0x58: {  	_ =	swait.ge [sflag:s3], $0x2800  }
0x59: {  	[sflag:s3] =	ssyncset.done $0x0  }
0x5a: {  	[sflag:s3] =	ssyncadd.s32 $0xFFFFD800  }
0x5b: {  	[spmem:s5] =	stream.linear.scatter [tilespmem:s11], [sflag:$0xB], $0x2800, $0x38;
	[tilespmem:$0x1D1A0] =	vst v63  }
0x5c: {  	_ =	swait.ge [sflag:s3], $0x2800  }
0x5d: {  	[sflag:s3] =	ssyncset.done $0x0  }
0x5e: {  	s31 =	simm.s32 $0x6;
	[sflag:s3] =	ssyncadd.s32 $0xFFFFD800  }
0x5f: {  	_ =	swait.ge [sflag:s31], $0x4E20  }
0x60: {  	[sflag:s31] =	ssyncset.done $0x0  }
0x61: {  	[sflag:s31] =	ssyncadd.s32 $0xFFFFB1E0  }
0x62: {  	[bflag:$0x0] =	sbarrier.arrive $0xFFFF  }
0x63: {  	s9 =	rddreg [dreg:$0x18]  }
0x64: {  	s22 =	simm.s32 $0x0;
	s23 =	simm.s32 $0x0;
	s1 =	rddreg [dreg:$0x0]  }
.LBB2_8:
0x65: {  	_ =	swait.ge [sflag:s13], $0x1400  }
0x66: {  	s17 =	sshra.s32 s23, $0x2;
	s0 =	sand.u32 $0x1, s22;
	[sflag:s13] =	ssyncset.done $0x0  }
0x67: {  	s5 =	sadd.s32 $0x6400, s17;
	p0 =	sne.s32 s6, s0;
	[sflag:s13] =	ssyncadd.s32 $0xFFFFEC00  }
0x68: {  	[spmem:s2] =	stream.indirect.scatter.add.f32 [tilespmem:s30], [sflag:$0x6], $0x40, s5, s15, $0xb8;
	[tilespmem:$0x1D1A0] =	vst v63  }
0x69: {  	s3 =	simm.s32 @!p0 $0x50;
	s7 =	simm.s32 @!p0 $0xB220  }
0x6a: {  	[spmem:s4] =	stream.indirect.scatter.add.f32 @!p0 [tilespmem:s7], [sflag:$0x6], $0x10, s5, s3, $0xb8;
	[tilespmem:$0x1D1A0] =	vst v63  }
0x6b: {  	_ =	swait.ge [sflag:s18], $0x1400  }
0x6c: {  	[sflag:s18] =	ssyncset.done $0x0  }
0x6d: {  	s31 =	simm.s32 $0x1400;
	s5 =	sadd.s32 $0x6450, s17;
	[sflag:s18] =	ssyncadd.s32 $0xFFFFEC00  }
0x6e: {  	[spmem:s2] =	stream.indirect.scatter.add.f32 [tilespmem:s31], [sflag:$0x7], $0x40, s5, s15, $0xb8;
	[tilespmem:$0x1D1A0] =	vst v63  }
0x6f: {  	s31 =	sxor.u32 $0xFFFFFFFF, s22  }
0x70: {  	s30 =	sand.u32 $0x1, s31  }
0x71: {  	p2 =	sne.s32 s6, s30  }
0x72: {  	s30 =	simm.s32 @!p2 $0x50;
	s31 =	simm.s32 @!p2 $0xB220  }
0x73: {  	[spmem:s4] =	stream.indirect.scatter.add.f32 @!p2 [tilespmem:s31], [sflag:$0x7], $0x10, s5, s30, $0xb8;
	[tilespmem:$0x1D1A0] =	vst v63  }
0x74: {  	_ =	swait.ge [sflag:s19], $0x1400  }
0x75: {  	[sflag:s19] =	ssyncset.done $0x0  }
0x76: {  	s5 =	sadd.s32 $0x64A0, s17;
	s31 =	simm.s32 $0x2800;
	[sflag:s19] =	ssyncadd.s32 $0xFFFFEC00  }
0x77: {  	[spmem:s2] =	stream.indirect.scatter.add.f32 [tilespmem:s31], [sflag:$0x8], $0x40, s5, s15, $0xb8;
	[tilespmem:$0x1D1A0] =	vst v63  }
0x78: {  	_ = 	snop  }
0x79: {  	[spmem:s4] =	stream.indirect.scatter.add.f32 @!p0 [tilespmem:s7], [sflag:$0x8], $0x10, s5, s3, $0xb8;
	[tilespmem:$0x1D1A0] =	vst v63  }
0x7a: {  	s30 =	sadd.s32 $0xFFFFFFFF, s22;
	_ =	swait.ge [sflag:s20], $0x1400  }
0x7b: {  	s31 =	simm.s32 $0x3C00;
	s3 =	sand.u32 $0x1, s30;
	[sflag:s20] =	ssyncset.done $0x0  }
0x7c: {  	s5 =	sadd.s32 $0x64F0, s17;
	p1 =	sne.s32 s6, s3;
	[sflag:s20] =	ssyncadd.s32 $0xFFFFEC00  }
0x7d: {  	[spmem:s2] =	stream.indirect.scatter.add.f32 [tilespmem:s31], [sflag:$0x9], $0x40, s5, s15, $0xb8;
	[tilespmem:$0x1D1A0] =	vst v63  }
0x7e: {  	s3 =	simm.s32 @!p1 $0x50;
	s7 =	simm.s32 @!p1 $0xB220  }
0x7f: {  	[spmem:s4] =	stream.indirect.scatter.add.f32 @!p1 [tilespmem:s7], [sflag:$0x9], $0x10, s5, s3, $0xb8;
	[tilespmem:$0x1D1A0] =	vst v63  }
0x80: {  	_ =	swait.ge [sflag:s21], $0x1400  }
0x81: {  	[sflag:s21] =	ssyncset.done $0x0  }
0x82: {  	p4 =	seq.s32 s6, s0;
	s0 =	sadd.s32 $0x6540, s17;
	[sflag:s21] =	ssyncadd.s32 $0xFFFFEC00  }
0x83: {  	[spmem:s2] =	stream.indirect.scatter.add.f32 [tilespmem:s8], [sflag:$0xA], $0x40, s0, s15, $0xb8;
	[tilespmem:$0x1D1A0] =	vst v63  }
0x84: {  	s3 =	simm.s32 @p4 $0x50;
	s5 =	simm.s32 @p4 $0xB220  }
0x85: {  	[spmem:s4] =	stream.indirect.scatter.add.f32 @p4 [tilespmem:s5], [sflag:$0xA], $0x10, s0, s3, $0xb8;
	[tilespmem:$0x1D1A0] =	vst v63  }
0x86: {  	s0 =	simm.s32 @p4 $0x6  }
0x87: {  	_ =	swait.ge @p4 [sflag:s0], $0x1400  }
0x88: {  	[sflag:s0] =	ssyncset.done @p4 $0x0  }
0x89: {  	[sflag:s0] =	ssyncadd.s32 @p4 $0xFFFFEC00  }
0x8a: {  	_ =	swait.ge @p4 [sflag:s0], $0x500  }
0x8b: {  	[sflag:s0] =	ssyncset.done @p4 $0x0  }
0x8c: {  	[sflag:s0] =	ssyncadd.s32 @p4 $0xFFFFFB00;
	s0 =	simm.s32 @!p4 $0x6  }
0x8d: {  	_ =	swait.ge @!p4 [sflag:s0], $0x1400  }
0x8e: {  	[sflag:s0] =	ssyncset.done @!p4 $0x0  }
0x8f: {  	p3 =	seq.s32 s23, $0x13240;
	[sflag:s0] =	ssyncadd.s32 @!p4 $0xFFFFEC00  }
0x90: {  	s7 =	simm.s32 @!p3 $0x0;
	s3 =	sshrl.u32 @!p3 s9, $0x3;
	s0 =	rddreg [dreg:$0x0]  }
0x91: {  	s5 =	simm.s32 @!p3 $0x80;
	s0 =	sadd.s32 @!p3 s0, s3;
	s3 =	simm.s32 @!p3 $0x40  }
0x92: {  	[tilespmem:s7], [sflag:$0x1] =	stream.strided.gather @!p3 [hbm4b:s0+s3], $0x1400, s5, s3, $0x38;
	[tilespmem:$0x1D1A0] =	vst v63  }
0x93: {  	_ =	swait.ge [sflag:s29], $0x1400  }
0x94: {  	[sflag:s29] =	ssyncset.done $0x0  }
0x95: {  	s0 =	simm.s32 @!p2 $0x7;
	[sflag:s29] =	ssyncadd.s32 $0xFFFFEC00  }
0x96: {  	_ =	swait.ge @!p2 [sflag:s0], $0x500  }
0x97: {  	[sflag:s0] =	ssyncset.done @!p2 $0x0  }
0x98: {  	s7 =	simm.s32 @!p3 $0x1400;
	[sflag:s0] =	ssyncadd.s32 @!p2 $0xFFFFFB00;
	s0 =	sadd.s32 @!p3 s1, s28  }
0x99: {  	[tilespmem:s7], [sflag:$0x2] =	stream.strided.gather @!p3 [hbm4b:s0+s3], $0x1400, s5, s3, $0x38;
	[tilespmem:$0x1D1A0] =	vst v63  }
0x9a: {  	_ =	swait.ge [sflag:s12], $0x1400  }
0x9b: {  	[sflag:s12] =	ssyncset.done $0x0  }
0x9c: {  	s0 =	simm.s32 @!p0 $0x8;
	[sflag:s12] =	ssyncadd.s32 $0xFFFFEC00  }
0x9d: {  	_ =	swait.ge @!p0 [sflag:s0], $0x500  }
0x9e: {  	[sflag:s0] =	ssyncset.done @!p0 $0x0  }
0x9f: {  	s7 =	simm.s32 @!p3 $0x2800;
	[sflag:s0] =	ssyncadd.s32 @!p0 $0xFFFFFB00;
	s0 =	sadd.s32 @!p3 s1, s26  }
0xa0: {  	[tilespmem:s7], [sflag:$0x3] =	stream.strided.gather @!p3 [hbm4b:s0+s3], $0x1400, s5, s3, $0x38;
	[tilespmem:$0x1D1A0] =	vst v63  }
0xa1: {  	_ =	swait.ge [sflag:s14], $0x1400  }
0xa2: {  	[sflag:s14] =	ssyncset.done $0x0  }
0xa3: {  	s0 =	simm.s32 @!p1 $0x9;
	[sflag:s14] =	ssyncadd.s32 $0xFFFFEC00  }
0xa4: {  	_ =	swait.ge @!p1 [sflag:s0], $0x500  }
0xa5: {  	[sflag:s0] =	ssyncset.done @!p1 $0x0  }
0xa6: {  	s7 =	simm.s32 @!p3 $0x3C00;
	[sflag:s0] =	ssyncadd.s32 @!p1 $0xFFFFFB00;
	s0 =	sadd.s32 @!p3 s1, s25  }
0xa7: {  	[tilespmem:s7], [sflag:$0x4] =	stream.strided.gather @!p3 [hbm4b:s0+s3], $0x1400, s5, s3, $0x38;
	[tilespmem:$0x1D1A0] =	vst v63  }
0xa8: {  	_ =	swait.ge [sflag:s16], $0x1400  }
.Ltmp3:
0xa9: {  	[sflag:s16] =	ssyncset.done $0x0;
	(pc) =	sbr.rel @p3 .LBB2_10-.Ltmp3, $4  }
0xaa: {  	s0 =	simm.s32 @!p0 $0xA;
	[sflag:s16] =	ssyncadd.s32 $0xFFFFEC00  }
0xab: {  	_ =	swait.ge @!p0 [sflag:s0], $0x500  }
0xac: {  	[sflag:s0] =	ssyncset.done @!p0 $0x0  }
0xad: {  	[sflag:s0] =	ssyncadd.s32 @!p0 $0xFFFFFB00  }
.Ltmp4:
0xae: {  	(pc) =	sbr.rel .LBB2_8-.Ltmp4, $4  }
0xaf: {  	s0 =	sadd.s32 s1, s24  }
0xb0: {  	s3 =	simm.s32 $0x40;
	s1 =	sadd.s32 $0x1900, s1;
	s9 =	sadd.s32 $0xC800, s9  }
0xb1: {  	s23 =	sadd.s32 $0x640, s23;
	s22 =	sadd.s32 $0x5, s22;
	s30 =	simm.s32 $0x0  }
0xb2: {  	[tilespmem:s8], [sflag:$0x5] =	stream.strided.gather [hbm4b:s0+s3], $0x1400, s10, s3, $0x38;
	[tilespmem:$0x1D1A0] =	vst v63  }
.LBB2_10:
0xb3: {  	[bflag:$0x0] =	sbarrier.arrive $0xFFFF  }
0xb4: {  	s5 =	simm.s32 $0xB720;
	s7 =	simm.s32 $0xB;
	s17 =	rddreg [dreg:$0x10]  }
0xb5: {  	[tilespmem:s5], [sflag:$0xB] =	stream.linear.gather [spmem:s17], $0x2800, $0x38;
	[tilespmem:$0x1D1A0] =	vst v63  }
0xb6: {  	_ =	swait.ge [sflag:s7], $0x2800  }
0xb7: {  	s1 =	simm.s32 $0x40;
	[sflag:s7] =	ssyncset.done $0x0  }
0xb8: {  	s3 =	simm.s32 $0x80;
	s0 =	rddreg [dreg:$0x12];
	[sflag:s7] =	ssyncadd.s32 $0xFFFFD800  }
0xb9: {  	[hbm4b:s0+s1] =	stream.strided.scatter [tilespmem:s5], [sflag:$0xB], $0x2800, s3, s1, $0x38;
	[tilespmem:$0x1D1A0] =	vst v63  }
0xba: {  	_ =	swait.ge [sflag:s7], $0x2800  }
0xbb: {  	[sflag:s7] =	ssyncset.done $0x0  }
0xbc: {  	s23 =	rddreg [dreg:$0x11];
	[sflag:s7] =	ssyncadd.s32 $0xFFFFD800  }
0xbd: {  	[tilespmem:s5], [sflag:$0xB] =	stream.linear.gather [spmem:s23], $0x2800, $0x38;
	[tilespmem:$0x1D1A0] =	vst v63  }
0xbe: {  	_ =	swait.ge [sflag:s7], $0x2800  }
0xbf: {  	[sflag:s7] =	ssyncset.done $0x0  }
0xc0: {  	s30 =	rddreg [dreg:$0x13];
	[sflag:s7] =	ssyncadd.s32 $0xFFFFD800  }
0xc1: {  	[hbm4b:s30+s1] =	stream.strided.scatter [tilespmem:s5], [sflag:$0xB], $0x2800, s3, s1, $0x38;
	[tilespmem:$0x1D1A0] =	vst v63  }
0xc2: {  	_ =	swait.ge [sflag:s7], $0x2800  }
0xc3: {  	[sflag:s7] =	ssyncset.done $0x0  }
0xc4: {  	s31 =	rddreg [dreg:$0x16];
	[sflag:s7] =	ssyncadd.s32 $0xFFFFD800  }
0xc5: {  	[tilespmem:s5], [sflag:$0xB] =	stream.linear.gather [spmem:s31], $0x2800, $0x38;
	[tilespmem:$0x1D1A0] =	vst v63  }
0xc6: {  	_ =	swait.ge [sflag:s7], $0x2800  }
0xc7: {  	[sflag:s7] =	ssyncset.done $0x0  }
0xc8: {  	s9 =	rddreg [dreg:$0x14];
	[sflag:s7] =	ssyncadd.s32 $0xFFFFD800  }
0xc9: {  	[hbm4b:s9+s1] =	stream.strided.scatter [tilespmem:s5], [sflag:$0xB], $0x2800, s3, s1, $0x38;
	[tilespmem:$0x1D1A0] =	vst v63  }
0xca: {  	_ =	swait.ge [sflag:s7], $0x2800  }
0xcb: {  	[sflag:s7] =	ssyncset.done $0x0  }
0xcc: {  	s22 =	rddreg [dreg:$0x17];
	[sflag:s7] =	ssyncadd.s32 $0xFFFFD800  }
0xcd: {  	[tilespmem:s5], [sflag:$0xB] =	stream.linear.gather [spmem:s22], $0x2800, $0x38;
	[tilespmem:$0x1D1A0] =	vst v63  }
0xce: {  	_ =	swait.ge [sflag:s7], $0x2800  }
0xcf: {  	[sflag:s7] =	ssyncset.done $0x0  }
0xd0: {  	s9 =	simm.s32 $0x0;
	s30 =	rddreg [dreg:$0x15];
	[sflag:s7] =	ssyncadd.s32 $0xFFFFD800  }
0xd1: {  	[hbm4b:s30+s1] =	stream.strided.scatter [tilespmem:s5], [sflag:$0xB], $0x2800, s3, s1, $0x38;
	[tilespmem:$0x1D1A0] =	vst v63  }
0xd2: {  	v3 =	vmov s9;
	_ =	swait.ge [sflag:s7], $0x2800  }
0xd3: {  	v3 =	vshll.u32 v3, $0x4;
	[sflag:s7] =	ssyncset.done $0x0  }
0xd4: {  	v3 =	vor.u32 v2, v3;
	s5 =	rddreg [dreg:$0xe];
	[sflag:s7] =	ssyncadd.s32 $0xFFFFD800  }
0xd5: {  	[tilespmem:s11], [sflag:$0xB] =	stream.linear.gather [spmem:s5], $0x2800, $0x38;
	[tilespmem:$0x1D1A0] =	vst v63  }
0xd6: {  	_ =	swait.ge [sflag:s7], $0x2800  }
0xd7: {  	s22 =	simm.s32 $0x10;
	[sflag:s7] =	ssyncset.done $0x0  }
0xd8: {  	v4 =	vmov s22;
	[sflag:s7] =	ssyncadd.s32 $0xFFFFD800  }
0xd9: {  	v4 =	vshll.u32 v4, $0x4;
	v3 =	vld.idx.msk [tilespmem:v3+s11+$0x0], $0xffff  }
0xda: {  	v5 =	vor.u32 v2, v4;
	_ =	sdelay $0x2  }
0xdb: {  	s1 =	simm.s32 $0x10720  }
0xdc: {  	s30 =	simm.s32 $0x20;
	[tilespmem:s1+$0x0] =	vst v3  }
0xdd: {  	s9 =	simm.s32 $0x30;
	v4 =	vmov s30;
	v3 =	vld.idx.msk [tilespmem:v5+s11+$0x0], $0xffff  }
.LBB2_11:
0xde: {  	p0 =	sne.s32 s9, $0x270;
	v4 =	vshll.u32 v4, $0x4  }
0xdf: {  	v5 =	vor.u32 v2, v4  }
.Ltmp5:
0xe0: {  	(pc) =	sbr.rel @p0 .LBB2_11-.Ltmp5, $4  }
0xe1: {  	_ = 	snop  }
0xe2: {  	s1 =	sadd.s32 $0x10, s1  }
0xe3: {  	[tilespmem:s1+$0x0] =	vst v3  }
0xe4: {  	v4 =	vmov s9;
	s9 =	sadd.s32 $0x10, s9;
	v3 =	vld.idx.msk [tilespmem:v5+s11+$0x0], $0xffff  }
0xe5: {  	v4 =	vshll.u32 v4, $0x4  }
0xe6: {  	v4 =	vor.u32 v2, v4;
	_ =	sdelay $0x2  }
0xe7: {  	s0 =	sadd.s32 $0x10, s1  }
0xe8: {  	[tilespmem:s0+$0x0] =	vst v3  }
0xe9: {  	v3 =	vld.idx.msk [tilespmem:v4+s11+$0x0], $0xffff;
	_ =	sdelay $0x3  }
0xea: {  	s30 =	simm.s32 $0x0;
	s0 =	sadd.s32 $0x10, s0  }
0xeb: {  	s3 =	rddreg [dreg:$0xb];
	s7 =	simm.s32 $0x10720;
	s9 =	simm.s32 $0xB;
	[tilespmem:s0+$0x0] =	vst v3  }
0xec: {  	[hbm4b:s3+s30] =	stream.linear.scatter [tilespmem:s7], [sflag:$0xB], $0x280, $0x38;
	[tilespmem:$0x1D1A0] =	vst v63  }
0xed: {  	_ =	swait.ge [sflag:s9], $0x280  }
0xee: {  	s3 =	rddreg [dreg:$0x19]  }
0xef: {  	s22 =	rddreg [dreg:$0xf];
	s3 =	sadd.s32 $0x1, s3  }
0xf0: {  	p0 =	sne.s32 s3, s22  }
.Ltmp6:
0xf1: {  	_ = 	snop;
	(pc) =	sbr.rel @p0 .LBB2_1-.Ltmp6, $3  }
0xf2: {  	_ =	sdelay $0x1  }
0xf3: {  	[sflag:s9] =	ssyncset.done $0x0  }
0xf4: {  	[sflag:s9] =	ssyncadd.s32 $0xFFFFFD80  }
0xf5: {  	_ =	sfence.sel $0x180000  }
0xf6: {  	[bflag:$0x0] =	sbarrier.arrive $0xFFFF  }
0xf7: {  	_ =	strace $0x90000047  }
0xf8: {  	s0 =	stileid.u32;
	[bflag:$0x2] =	sbarrier.arrive $0xFFFF  }
0xf9: {  	p0 =	sne.s32 s0, $0x0;
	s0 =	rddreg [dreg:$0x6]  }
0xfa: {  	s0 =	sadd.s32 @!p0 $0x100000, s0  }
0xfb: {  	[sflag:s0] =	ssyncadd.tile.s32 @!p0 $0x1;
	_ =	shalt  }
.Lfunc_end2:
_tile_overlayer_lowered:
.L_overlay_start_2:
0xfc: {  	(tag) =	ssettag $0x2  }
0xfd: {  	s0 =	rddreg [dreg:$0x0];
	s2 =	stileid.u32  }
0xfe: {  	s1 =	rddreg [dreg:$0x1];
	p0 =	sne.s32 s2, $0x0  }
0xff: {  	s3 =	rddreg [dreg:$0x2];
	[bflag:$0x3] =	sbarrier.arrive $0xFFFF;
	s2 =	simm.s32 @!p0 $0x1C0B  }
0x100: {  	[timem:s3], [sflag:s2] =	dma.local @!p0 [hbm:s0], s1  }
0x101: {  	s0 =	simm.s32 @!p0 $0xB  }
0x102: {  	_ =	swait.ge @!p0 [sflag:s0], s1  }
0x103: {  	s1 =	ssub.s32 @!p0 $0x0, s1;
	[sflag:s0] =	ssyncset.done @!p0 $0x0  }
0x104: {  	[sflag:s0] =	ssyncadd.s32 @!p0 s1  }
0x105: {  	[bflag:$0x3] =	sbarrier.arrive $0xFFFF  }
0x106: {  	_ =	shalt  }

</sc_bundles>
